<compile_context>
chip_gen: v7x
topology: tpu7x:2x2x1
jax: 0.10.2.dev20260603
libtpu: 0.0.44.dev20260713+nightly
codegen_flags: <defaults>
</compile_context>

<pallas_src>
import functools

import jax
import jax.numpy as jnp
from jax import lax
from jax.experimental import pallas as pl
from jax.experimental.pallas import tpu as pltpu
from jax.experimental.pallas import tpu_sc as plsc

_N = 10000
_E = 320000
_H = 128
_G = 64
_C = 10
_L = 4

_NC = 2
_NS = 16
_NW = _NC * _NS
_EPW = _E // _NW
_EC = 64
_NCH = 157
_PEPW = _NCH * _EC
_NP = 10240
_RPT = _NP // _NS


def _agg_body(h_hbm, idx_hbm, zeros_hbm, out_hbm,
              idx_v, rows0_v, rows1_v, acc_sh, sem0, sem1):
    cid = lax.axis_index("c")
    sid = lax.axis_index("s")
    wid = sid * _NC + cid
    pltpu.sync_copy(idx_hbm.at[wid], idx_v)
    gather0 = pltpu.async_copy(h_hbm.at[idx_v.at[0, pl.ds(0, _EC)]],
                               rows0_v, sem0)
    pltpu.sync_copy(zeros_hbm.at[pl.ds(sid * _RPT, _RPT)],
                    acc_sh.at[pl.ds(sid * _RPT, _RPT)])
    plsc.subcore_barrier()

    def step(i, carry):
        c = 2 * i
        gather1 = pltpu.async_copy(h_hbm.at[idx_v.at[c + 1, pl.ds(0, _EC)]],
                                   rows1_v, sem1)
        gather0.wait()
        pltpu.sync_copy(rows0_v, acc_sh.at[idx_v.at[c, pl.ds(_EC, _EC)]],
                        add=True)
        pltpu.async_copy(h_hbm.at[idx_v.at[c + 2, pl.ds(0, _EC)]],
                         rows0_v, sem0)
        gather1.wait()
        pltpu.sync_copy(rows1_v, acc_sh.at[idx_v.at[c + 1, pl.ds(_EC, _EC)]],
                        add=True)
        return carry

    lax.fori_loop(0, (_NCH - 1) // 2, step, 0)
    gather0.wait()
    pltpu.sync_copy(rows0_v, acc_sh.at[idx_v.at[_NCH - 1, pl.ds(_EC, _EC)]],
                    add=True)
    plsc.subcore_barrier()
    pltpu.sync_copy(acc_sh.at[pl.ds(sid * _RPT, _RPT)],
                    out_hbm.at[cid, pl.ds(sid * _RPT, _RPT)])


_agg_call = pl.kernel(
    _agg_body,
    out_type=jax.ShapeDtypeStruct((_NC, _NP, _H), jnp.float32),
    mesh=plsc.VectorSubcoreMesh(core_axis_name="c", subcore_axis_name="s"),
    scratch_types=[
        pltpu.VMEM((_NCH, 2 * _EC), jnp.int32),
        pltpu.VMEM((_EC, _H), jnp.float32),
        pltpu.VMEM((_EC, _H), jnp.float32),
        pltpu.VMEM_SHARED((_NP, _H), jnp.float32),
        pltpu.SemaphoreType.DMA,
        pltpu.SemaphoreType.DMA,
    ],
)


def _bn_relu(y, g, t):
    m = jnp.mean(y, axis=0, keepdims=True)
    ms = jnp.mean(y * y, axis=0, keepdims=True)
    a = lax.rsqrt(ms - m * m + 1e-5) * g
    return jnp.maximum(y * a + (t - m * a), 0.0)


def _mlp_core(h_ref, p_ref, w1_ref, b1_ref, g1_ref, t1_ref,
              w2_ref, b2_ref, g2_ref, t2_ref):
    z = h_ref[...] + p_ref[0, :_N] + p_ref[1, :_N]
    y = jnp.dot(z, w1_ref[...], preferred_element_type=jnp.float32,
                precision=lax.Precision.HIGHEST) + b1_ref[...]
    y = _bn_relu(y, g1_ref[...], t1_ref[...])
    y = jnp.dot(y, w2_ref[...], preferred_element_type=jnp.float32,
                precision=lax.Precision.HIGHEST) + b2_ref[...]
    return _bn_relu(y, g2_ref[...], t2_ref[...])


def _mlp_body(h_ref, p_ref, w1_ref, b1_ref, g1_ref, t1_ref,
              w2_ref, b2_ref, g2_ref, t2_ref, o_ref):
    o_ref[...] = _mlp_core(h_ref, p_ref, w1_ref, b1_ref, g1_ref, t1_ref,
                           w2_ref, b2_ref, g2_ref, t2_ref)


def _mlp_tail_body(h_ref, p_ref, w1_ref, b1_ref, g1_ref, t1_ref,
                   w2_ref, b2_ref, g2_ref, t2_ref,
                   batch_ref, l1w_ref, l1b_ref, l2w_ref, l2b_ref, o_ref):
    h4 = _mlp_core(h_ref, p_ref, w1_ref, b1_ref, g1_ref, t1_ref,
                   w2_ref, b2_ref, g2_ref, t2_ref)
    gids = lax.broadcasted_iota(jnp.int32, (_G, _N), 0)
    mask = (batch_ref[...] == gids).astype(jnp.float32)
    pooled = jnp.dot(mask, h4, preferred_element_type=jnp.float32,
                     precision=lax.Precision.HIGHEST)
    t = jnp.maximum(jnp.dot(pooled, l1w_ref[...],
                            preferred_element_type=jnp.float32,
                            precision=lax.Precision.HIGHEST)
                    + l1b_ref[...], 0.0)
    o_ref[...] = jnp.dot(t, l2w_ref[...], preferred_element_type=jnp.float32,
                         precision=lax.Precision.HIGHEST) + l2b_ref[...]


_mlp_call = pl.pallas_call(
    _mlp_body, out_shape=jax.ShapeDtypeStruct((_N, _H), jnp.float32))

_mlp_tail_call = pl.pallas_call(
    _mlp_tail_body, out_shape=jax.ShapeDtypeStruct((_G, _C), jnp.float32))


def kernel(x, W1s, b1s, g1s, bt1s, W2s, b2s, g2s, bt2s,
           lin1_W, lin1_b, lin2_W, lin2_b, edge_index, batch):
    pad = _PEPW - _EPW
    srcs = jnp.pad(edge_index[0].reshape(_NW, _EPW), ((0, 0), (0, pad)))
    dsts = jnp.pad(edge_index[1].reshape(_NW, _EPW), ((0, 0), (0, pad)),
                   constant_values=_N)
    idx = jnp.concatenate([srcs.reshape(_NW, _NCH, _EC),
                           dsts.reshape(_NW, _NCH, _EC)], axis=-1)
    zeros = jnp.zeros((_NP, _H), jnp.float32)
    row = lambda a: a.reshape(1, -1)

    h = x
    for i in range(_L):
        parts = _agg_call(h, idx, zeros)
        args = (h, parts, W1s[i], row(b1s[i]), row(g1s[i]), row(bt1s[i]),
                W2s[i], row(b2s[i]), row(g2s[i]), row(bt2s[i]))
        if i < _L - 1:
            h = _mlp_call(*args)
        else:
            out = _mlp_tail_call(*args, row(batch), lin1_W, row(lin1_b),
                                 lin2_W, row(lin2_b))
    return out

# --- scband reference (transcript-rebuilt; emitter-appended) ---
"""Pipeline reference for scband-gin0-2611340116520 (READ-ONLY COPY).

The authoritative reference and input builder live on the scoring server;
editing this copy changes nothing except your own understanding.
"""

import jax, jax.numpy as jnp
import numpy as np

N = 10000
E = 320000
D = 128
H = 128
C = 10
L = 4  # num_layers
G = 64  # number of graphs in the batch vector


def setup_inputs(seed: int = 0) -> dict:
    key = jax.random.key(seed)
    ks = jax.random.split(key, 12)
    x = jax.random.normal(ks[0], (N, D), dtype=jnp.float32)
    edge_index = jax.random.randint(ks[1], (2, E), 0, N, dtype=jnp.int32)
    batch = jnp.sort(jax.random.randint(ks[2], (N,), 0, G, dtype=jnp.int32))
    s = 1.0 / np.sqrt(H)
    # Stacked GINConv MLP params for L layers (num_features == hidden == 128)
    W1s = jax.random.normal(ks[3], (L, H, H), dtype=jnp.float32) * s
    b1s = jnp.zeros((L, H), dtype=jnp.float32)
    g1s = jnp.ones((L, H), dtype=jnp.float32)
    bt1s = jnp.zeros((L, H), dtype=jnp.float32)
    W2s = jax.random.normal(ks[4], (L, H, H), dtype=jnp.float32) * s
    b2s = jnp.zeros((L, H), dtype=jnp.float32)
    g2s = jnp.ones((L, H), dtype=jnp.float32)
    bt2s = jnp.zeros((L, H), dtype=jnp.float32)
    lin1_W = jax.random.normal(ks[5], (H, H), dtype=jnp.float32) * s
    lin1_b = jnp.zeros((H,), dtype=jnp.float32)
    lin2_W = jax.random.normal(ks[6], (H, C), dtype=jnp.float32) * s
    lin2_b = jnp.zeros((C,), dtype=jnp.float32)
    return {"x": x, "W1s": W1s, "b1s": b1s, "g1s": g1s, "bt1s": bt1s,
            "W2s": W2s, "b2s": b2s, "g2s": g2s, "bt2s": bt2s,
            "lin1_W": lin1_W, "lin1_b": lin1_b, "lin2_W": lin2_W, "lin2_b": lin2_b,
            "edge_index": edge_index, "batch": batch}


def _bn(z, g, b):
    # BatchNorm1d in training mode (batch statistics)
    m = jnp.mean(z, axis=0)
    v = jnp.var(z, axis=0)
    return (z - m) / jnp.sqrt(v + 1e-5) * g + b


def reference(x, W1s, b1s, g1s, bt1s, W2s, b2s, g2s, bt2s, lin1_W, lin1_b, lin2_W, lin2_b, edge_index, batch):
    src = edge_index[0]
    dst = edge_index[1]
    h = x
    for i in range(L):
        # GINConv with train_eps=False, eps=0: MLP(x + sum_{j in N(i)} x_j)
        agg = jnp.zeros_like(h).at[dst].add(h[src])
        z = h + agg
        z = jax.nn.relu(_bn(z @ W1s[i] + b1s[i], g1s[i], bt1s[i]))
        z = jax.nn.relu(_bn(z @ W2s[i] + b2s[i], g2s[i], bt2s[i]))
        h = z
    # readout='sum' -> global_add_pool
    pooled = jax.ops.segment_sum(h, batch, num_segments=G)
    out = jax.nn.relu(pooled @ lin1_W + lin1_b)
    # dropout is identity at inference
    out = out @ lin2_W + lin2_b
    return out

if __name__ == "__main__":
    import jax
    _d = setup_inputs()
    print(jax.jit(kernel)(*tuple(_d.values())))

</pallas_src>

<mosaic_0001>
#map = affine_map<(d0, d1) -> (0, 0)>
#map1 = affine_map<(d0, d1) -> (0, 0, 0)>
module attributes {stable_mosaic.version = 14 : i64} {
  func.func @_agg_body(%arg0: i32, %arg1: i32, %arg2: memref<10000x128xf32, #tpu.memory_space<hbm>>, %arg3: memref<32x157x128xi32, #tpu.memory_space<hbm>>, %arg4: memref<10240x128xf32, #tpu.memory_space<hbm>>, %arg5: memref<2x10240x128xf32, #tpu.memory_space<hbm>>, %arg6: memref<157x128xi32, #tpu.memory_space<vmem>>, %arg7: memref<64x128xf32, #tpu.memory_space<vmem>>, %arg8: memref<64x128xf32, #tpu.memory_space<vmem>>, %arg9: memref<10240x128xf32, #tpu.memory_space<vmem_shared>>, %arg10: memref<!tpu.dma_semaphore, #tpu.memory_space<semaphore_mem>>, %arg11: memref<!tpu.dma_semaphore, #tpu.memory_space<semaphore_mem>>) attributes {dimension_semantics = [#tpu.dimension_semantics<core_parallel>, #tpu.dimension_semantics<subcore_parallel>], iteration_bounds = array<i64: 2, 16>, scalar_prefetch = 0 : i64, scratch_operands = 6 : i64, tpu.core_type = #tpu.core_type<sc_vector_subcore>, window_params = [{transform_indices = #map}, {transform_indices = #map1}, {transform_indices = #map}, {transform_indices = #map1}]} {
    %mul3A = arith.constant 2 : i32
    %mul3A_0 = arith.muli %arg1, %mul3A : i32
    %add3A = arith.addi %mul3A_0, %arg0 : i32
    "tpu.region"() ({
      %run_scoped3A_28 = tpu.sem_alloc : memref<!tpu.dma_semaphore, #tpu.memory_space<semaphore_mem>>
      %dma_start3A_29 = arith.constant 0 : i32
      %dma_start3A_30 = arith.constant 0 : i32
      %dma_start3A_31 = tpu.memref_slice %arg3[%add3A, %dma_start3A_29, %dma_start3A_30] : memref<32x157x128xi32, #tpu.memory_space<hbm>> -> memref<1x157x128xi32, #tpu.memory_space<hbm>>
      %dma_start3A_32 = tpu.memref_squeeze %dma_start3A_31 : memref<1x157x128xi32, #tpu.memory_space<hbm>> -> memref<157x128xi32, #tpu.memory_space<hbm>>
      %dma_start3A_33 = arith.constant 0 : i32
      %dma_start3A_34 = arith.constant 0 : i32
      %dma_start3A_35 = tpu.memref_slice %arg3[%add3A, %dma_start3A_33, %dma_start3A_34] : memref<32x157x128xi32, #tpu.memory_space<hbm>> -> memref<1x157x128xi32, #tpu.memory_space<hbm>>
      %dma_start3A_36 = tpu.memref_squeeze %dma_start3A_35 : memref<1x157x128xi32, #tpu.memory_space<hbm>> -> memref<157x128xi32, #tpu.memory_space<hbm>>
      tpu.enqueue_dma source(%dma_start3A_36 : memref<157x128xi32, #tpu.memory_space<hbm>>) target(%arg6 : memref<157x128xi32, #tpu.memory_space<vmem>>) target_semaphore(%run_scoped3A_28 : memref<!tpu.dma_semaphore, #tpu.memory_space<semaphore_mem>>)
      %dma_wait3A_37 = arith.constant 0 : i32
      %dma_wait3A_38 = arith.constant 0 : i32
      %dma_wait3A_39 = tpu.memref_slice %arg3[%add3A, %dma_wait3A_37, %dma_wait3A_38] : memref<32x157x128xi32, #tpu.memory_space<hbm>> -> memref<1x157x128xi32, #tpu.memory_space<hbm>>
      %dma_wait3A_40 = tpu.memref_squeeze %dma_wait3A_39 : memref<1x157x128xi32, #tpu.memory_space<hbm>> -> memref<157x128xi32, #tpu.memory_space<hbm>>
      %dma_wait3A_41 = arith.constant 0 : i32
      %dma_wait3A_42 = arith.constant 0 : i32
      %dma_wait3A_43 = tpu.memref_slice %arg3[%add3A, %dma_wait3A_41, %dma_wait3A_42] : memref<32x157x128xi32, #tpu.memory_space<hbm>> -> memref<1x157x128xi32, #tpu.memory_space<hbm>>
      %dma_wait3A_44 = tpu.memref_squeeze %dma_wait3A_43 : memref<1x157x128xi32, #tpu.memory_space<hbm>> -> memref<157x128xi32, #tpu.memory_space<hbm>>
      tpu.wait_dma2 semaphore(%run_scoped3A_28 : memref<!tpu.dma_semaphore, #tpu.memory_space<semaphore_mem>>) src(%dma_wait3A_44 : memref<157x128xi32, #tpu.memory_space<hbm>>) dst(%arg6 : memref<157x128xi32, #tpu.memory_space<vmem>>)
      tpu.yield
    }) : () -> ()
    %dma_start3A = arith.constant 0 : i32
    %dma_start3A_1 = arith.constant 0 : i32
    %dma_start3A_2 = tpu.memref_slice %arg6[%dma_start3A, %dma_start3A_1] : memref<157x128xi32, #tpu.memory_space<vmem>> -> memref<1x64xi32, #tpu.memory_space<vmem>>
    %dma_start3A_3 = tpu.memref_squeeze %dma_start3A_2 : memref<1x64xi32, #tpu.memory_space<vmem>> -> memref<64xi32, #tpu.memory_space<vmem>>
    %dma_start3A_4 = arith.constant 0 : i32
    %dma_start3A_5 = arith.constant 0 : i32
    %dma_start3A_6 = tpu.memref_slice %arg2[%dma_start3A_4, %dma_start3A_5] : memref<10000x128xf32, #tpu.memory_space<hbm>> -> memref<10000x128xf32, #tpu.memory_space<hbm>>
    tpu.enqueue_indirect_dma source(%dma_start3A_6 : memref<10000x128xf32, #tpu.memory_space<hbm>>) target(%arg7 : memref<64x128xf32, #tpu.memory_space<vmem>>) offsets(%dma_start3A_3 : memref<64xi32, #tpu.memory_space<vmem>>) semaphore(%arg10 : memref<!tpu.dma_semaphore, #tpu.memory_space<semaphore_mem>>)
    %mul3A_7 = arith.constant 640 : i32
    %mul3A_8 = arith.muli %arg1, %mul3A_7 : i32
    %mul3A_9 = arith.constant 640 : i32
    %mul3A_10 = arith.muli %arg1, %mul3A_9 : i32
    "tpu.region"() ({
      %run_scoped3A_28 = tpu.sem_alloc : memref<!tpu.dma_semaphore, #tpu.memory_space<semaphore_mem>>
      %dma_start3A_29 = arith.constant 0 : i32
      %dma_start3A_30 = tpu.memref_slice %arg9[%mul3A_10, %dma_start3A_29] : memref<10240x128xf32, #tpu.memory_space<vmem_shared>> -> memref<640x128xf32, #tpu.memory_space<vmem_shared>>
      %dma_start3A_31 = arith.constant 0 : i32
      %dma_start3A_32 = tpu.memref_slice %arg4[%mul3A_8, %dma_start3A_31] : memref<10240x128xf32, #tpu.memory_space<hbm>> -> memref<640x128xf32, #tpu.memory_space<hbm>>
      tpu.enqueue_dma source(%dma_start3A_32 : memref<640x128xf32, #tpu.memory_space<hbm>>) target(%dma_start3A_30 : memref<640x128xf32, #tpu.memory_space<vmem_shared>>) target_semaphore(%run_scoped3A_28 : memref<!tpu.dma_semaphore, #tpu.memory_space<semaphore_mem>>)
      %dma_wait3A_33 = arith.constant 0 : i32
      %dma_wait3A_34 = tpu.memref_slice %arg9[%mul3A_10, %dma_wait3A_33] : memref<10240x128xf32, #tpu.memory_space<vmem_shared>> -> memref<640x128xf32, #tpu.memory_space<vmem_shared>>
      %dma_wait3A_35 = arith.constant 0 : i32
      %dma_wait3A_36 = tpu.memref_slice %arg4[%mul3A_8, %dma_wait3A_35] : memref<10240x128xf32, #tpu.memory_space<hbm>> -> memref<640x128xf32, #tpu.memory_space<hbm>>
      tpu.wait_dma2 semaphore(%run_scoped3A_28 : memref<!tpu.dma_semaphore, #tpu.memory_space<semaphore_mem>>) src(%dma_wait3A_36 : memref<640x128xf32, #tpu.memory_space<hbm>>) dst(%dma_wait3A_34 : memref<640x128xf32, #tpu.memory_space<vmem_shared>>)
      tpu.yield
    }) : () -> ()
    %barrier3A = arith.constant 0 : index
    tpu.barrier barrier_id(%barrier3A)
    %scan3A = arith.constant 0 : i32
    %scan3A_11 = arith.constant 0 : i32
    %scan3A_12 = arith.constant 0 : i32
    %scan3A_13 = arith.constant 78 : i32
    %scan3A_14 = arith.addi %scan3A_12, %scan3A_13 : i32
    %scan3A_15 = arith.constant 1 : i32
    scf.for %scan3A_28 = %scan3A_12 to %scan3A_14 step %scan3A_15  : i32 {
      %mul3A_29 = arith.constant 2 : i32
      %mul3A_30 = arith.muli %mul3A_29, %scan3A_28 : i32
      %add3A_31 = arith.constant 1 : i32
      %add3A_32 = arith.addi %mul3A_30, %add3A_31 : i32
      %dma_start3A_33 = arith.constant 0 : i32
      %dma_start3A_34 = tpu.memref_slice %arg6[%add3A_32, %dma_start3A_33] : memref<157x128xi32, #tpu.memory_space<vmem>> -> memref<1x64xi32, #tpu.memory_space<vmem>>
      %dma_start3A_35 = tpu.memref_squeeze %dma_start3A_34 : memref<1x64xi32, #tpu.memory_space<vmem>> -> memref<64xi32, #tpu.memory_space<vmem>>
      %dma_start3A_36 = arith.constant 0 : i32
      %dma_start3A_37 = arith.constant 0 : i32
      %dma_start3A_38 = tpu.memref_slice %arg2[%dma_start3A_36, %dma_start3A_37] : memref<10000x128xf32, #tpu.memory_space<hbm>> -> memref<10000x128xf32, #tpu.memory_space<hbm>>
      tpu.enqueue_indirect_dma source(%dma_start3A_38 : memref<10000x128xf32, #tpu.memory_space<hbm>>) target(%arg8 : memref<64x128xf32, #tpu.memory_space<vmem>>) offsets(%dma_start3A_35 : memref<64xi32, #tpu.memory_space<vmem>>) semaphore(%arg11 : memref<!tpu.dma_semaphore, #tpu.memory_space<semaphore_mem>>)
      %dma_wait3A_39 = arith.constant 0 : i32
      %dma_wait3A_40 = tpu.memref_slice %arg6[%scan3A_11, %dma_wait3A_39] : memref<157x128xi32, #tpu.memory_space<vmem>> -> memref<1x64xi32, #tpu.memory_space<vmem>>
      %dma_wait3A_41 = tpu.memref_squeeze %dma_wait3A_40 : memref<1x64xi32, #tpu.memory_space<vmem>> -> memref<64xi32, #tpu.memory_space<vmem>>
      %dma_wait3A_42 = arith.constant 0 : i32
      %dma_wait3A_43 = arith.constant 0 : i32
      %dma_wait3A_44 = tpu.memref_slice %arg2[%dma_wait3A_42, %dma_wait3A_43] : memref<10000x128xf32, #tpu.memory_space<hbm>> -> memref<10000x128xf32, #tpu.memory_space<hbm>>
      tpu.wait_indirect_dma semaphore(%arg10 : memref<!tpu.dma_semaphore, #tpu.memory_space<semaphore_mem>>) src(%dma_wait3A_44 : memref<10000x128xf32, #tpu.memory_space<hbm>>) dst(%arg7 : memref<64x128xf32, #tpu.memory_space<vmem>>)
      "tpu.region"() ({
        %run_scoped3A_61 = tpu.sem_alloc : memref<!tpu.dma_semaphore, #tpu.memory_space<semaphore_mem>>
        %dma_start3A_62 = arith.constant 64 : i32
        %dma_start3A_63 = tpu.memref_slice %arg6[%mul3A_30, %dma_start3A_62] : memref<157x128xi32, #tpu.memory_space<vmem>> -> memref<1x64xi32, #tpu.memory_space<vmem>>
        %dma_start3A_64 = tpu.memref_squeeze %dma_start3A_63 : memref<1x64xi32, #tpu.memory_space<vmem>> -> memref<64xi32, #tpu.memory_space<vmem>>
        %dma_start3A_65 = arith.constant 0 : i32
        %dma_start3A_66 = arith.constant 0 : i32
        %dma_start3A_67 = tpu.memref_slice %arg9[%dma_start3A_65, %dma_start3A_66] : memref<10240x128xf32, #tpu.memory_space<vmem_shared>> -> memref<10240x128xf32, #tpu.memory_space<vmem_shared>>
        tpu.enqueue_indirect_dma source(%arg7 : memref<64x128xf32, #tpu.memory_space<vmem>>) target(%dma_start3A_67 : memref<10240x128xf32, #tpu.memory_space<vmem_shared>>) offsets(%dma_start3A_64 : memref<64xi32, #tpu.memory_space<vmem>>) semaphore(%run_scoped3A_61 : memref<!tpu.dma_semaphore, #tpu.memory_space<semaphore_mem>>) {add = true}
        %dma_wait3A_68 = arith.constant 64 : i32
        %dma_wait3A_69 = tpu.memref_slice %arg6[%mul3A_30, %dma_wait3A_68] : memref<157x128xi32, #tpu.memory_space<vmem>> -> memref<1x64xi32, #tpu.memory_space<vmem>>
        %dma_wait3A_70 = tpu.memref_squeeze %dma_wait3A_69 : memref<1x64xi32, #tpu.memory_space<vmem>> -> memref<64xi32, #tpu.memory_space<vmem>>
        %dma_wait3A_71 = arith.constant 0 : i32
        %dma_wait3A_72 = arith.constant 0 : i32
        %dma_wait3A_73 = tpu.memref_slice %arg9[%dma_wait3A_71, %dma_wait3A_72] : memref<10240x128xf32, #tpu.memory_space<vmem_shared>> -> memref<10240x128xf32, #tpu.memory_space<vmem_shared>>
        tpu.wait_indirect_dma semaphore(%run_scoped3A_61 : memref<!tpu.dma_semaphore, #tpu.memory_space<semaphore_mem>>) src(%arg7 : memref<64x128xf32, #tpu.memory_space<vmem>>) dst(%dma_wait3A_73 : memref<10240x128xf32, #tpu.memory_space<vmem_shared>>)
        tpu.yield
      }) : () -> ()
      %add3A_45 = arith.constant 2 : i32
      %add3A_46 = arith.addi %mul3A_30, %add3A_45 : i32
      %dma_start3A_47 = arith.constant 0 : i32
      %dma_start3A_48 = tpu.memref_slice %arg6[%add3A_46, %dma_start3A_47] : memref<157x128xi32, #tpu.memory_space<vmem>> -> memref<1x64xi32, #tpu.memory_space<vmem>>
      %dma_start3A_49 = tpu.memref_squeeze %dma_start3A_48 : memref<1x64xi32, #tpu.memory_space<vmem>> -> memref<64xi32, #tpu.memory_space<vmem>>
      %dma_start3A_50 = arith.constant 0 : i32
      %dma_start3A_51 = arith.constant 0 : i32
      %dma_start3A_52 = tpu.memref_slice %arg2[%dma_start3A_50, %dma_start3A_51] : memref<10000x128xf32, #tpu.memory_space<hbm>> -> memref<10000x128xf32, #tpu.memory_space<hbm>>
      tpu.enqueue_indirect_dma source(%dma_start3A_52 : memref<10000x128xf32, #tpu.memory_space<hbm>>) target(%arg7 : memref<64x128xf32, #tpu.memory_space<vmem>>) offsets(%dma_start3A_49 : memref<64xi32, #tpu.memory_space<vmem>>) semaphore(%arg10 : memref<!tpu.dma_semaphore, #tpu.memory_space<semaphore_mem>>)
      %dma_wait3A_53 = arith.constant 0 : i32
      %dma_wait3A_54 = tpu.memref_slice %arg6[%add3A_32, %dma_wait3A_53] : memref<157x128xi32, #tpu.memory_space<vmem>> -> memref<1x64xi32, #tpu.memory_space<vmem>>
      %dma_wait3A_55 = tpu.memref_squeeze %dma_wait3A_54 : memref<1x64xi32, #tpu.memory_space<vmem>> -> memref<64xi32, #tpu.memory_space<vmem>>
      %dma_wait3A_56 = arith.constant 0 : i32
      %dma_wait3A_57 = arith.constant 0 : i32
      %dma_wait3A_58 = tpu.memref_slice %arg2[%dma_wait3A_56, %dma_wait3A_57] : memref<10000x128xf32, #tpu.memory_space<hbm>> -> memref<10000x128xf32, #tpu.memory_space<hbm>>
      tpu.wait_indirect_dma semaphore(%arg11 : memref<!tpu.dma_semaphore, #tpu.memory_space<semaphore_mem>>) src(%dma_wait3A_58 : memref<10000x128xf32, #tpu.memory_space<hbm>>) dst(%arg8 : memref<64x128xf32, #tpu.memory_space<vmem>>)
      %add3A_59 = arith.constant 1 : i32
      %add3A_60 = arith.addi %mul3A_30, %add3A_59 : i32
      "tpu.region"() ({
        %run_scoped3A_61 = tpu.sem_alloc : memref<!tpu.dma_semaphore, #tpu.memory_space<semaphore_mem>>
        %dma_start3A_62 = arith.constant 64 : i32
        %dma_start3A_63 = tpu.memref_slice %arg6[%add3A_60, %dma_start3A_62] : memref<157x128xi32, #tpu.memory_space<vmem>> -> memref<1x64xi32, #tpu.memory_space<vmem>>
        %dma_start3A_64 = tpu.memref_squeeze %dma_start3A_63 : memref<1x64xi32, #tpu.memory_space<vmem>> -> memref<64xi32, #tpu.memory_space<vmem>>
        %dma_start3A_65 = arith.constant 0 : i32
        %dma_start3A_66 = arith.constant 0 : i32
        %dma_start3A_67 = tpu.memref_slice %arg9[%dma_start3A_65, %dma_start3A_66] : memref<10240x128xf32, #tpu.memory_space<vmem_shared>> -> memref<10240x128xf32, #tpu.memory_space<vmem_shared>>
        tpu.enqueue_indirect_dma source(%arg8 : memref<64x128xf32, #tpu.memory_space<vmem>>) target(%dma_start3A_67 : memref<10240x128xf32, #tpu.memory_space<vmem_shared>>) offsets(%dma_start3A_64 : memref<64xi32, #tpu.memory_space<vmem>>) semaphore(%run_scoped3A_61 : memref<!tpu.dma_semaphore, #tpu.memory_space<semaphore_mem>>) {add = true}
        %dma_wait3A_68 = arith.constant 64 : i32
        %dma_wait3A_69 = tpu.memref_slice %arg6[%add3A_60, %dma_wait3A_68] : memref<157x128xi32, #tpu.memory_space<vmem>> -> memref<1x64xi32, #tpu.memory_space<vmem>>
        %dma_wait3A_70 = tpu.memref_squeeze %dma_wait3A_69 : memref<1x64xi32, #tpu.memory_space<vmem>> -> memref<64xi32, #tpu.memory_space<vmem>>
        %dma_wait3A_71 = arith.constant 0 : i32
        %dma_wait3A_72 = arith.constant 0 : i32
        %dma_wait3A_73 = tpu.memref_slice %arg9[%dma_wait3A_71, %dma_wait3A_72] : memref<10240x128xf32, #tpu.memory_space<vmem_shared>> -> memref<10240x128xf32, #tpu.memory_space<vmem_shared>>
        tpu.wait_indirect_dma semaphore(%run_scoped3A_61 : memref<!tpu.dma_semaphore, #tpu.memory_space<semaphore_mem>>) src(%arg8 : memref<64x128xf32, #tpu.memory_space<vmem>>) dst(%dma_wait3A_73 : memref<10240x128xf32, #tpu.memory_space<vmem_shared>>)
        tpu.yield
      }) : () -> ()
    }
    %scan3A_16 = arith.constant 78 : i32
    %dma_wait3A = arith.constant 0 : i32
    %dma_wait3A_17 = arith.constant 0 : i32
    %dma_wait3A_18 = tpu.memref_slice %arg6[%dma_wait3A, %dma_wait3A_17] : memref<157x128xi32, #tpu.memory_space<vmem>> -> memref<1x64xi32, #tpu.memory_space<vmem>>
    %dma_wait3A_19 = tpu.memref_squeeze %dma_wait3A_18 : memref<1x64xi32, #tpu.memory_space<vmem>> -> memref<64xi32, #tpu.memory_space<vmem>>
    %dma_wait3A_20 = arith.constant 0 : i32
    %dma_wait3A_21 = arith.constant 0 : i32
    %dma_wait3A_22 = tpu.memref_slice %arg2[%dma_wait3A_20, %dma_wait3A_21] : memref<10000x128xf32, #tpu.memory_space<hbm>> -> memref<10000x128xf32, #tpu.memory_space<hbm>>
    tpu.wait_indirect_dma semaphore(%arg10 : memref<!tpu.dma_semaphore, #tpu.memory_space<semaphore_mem>>) src(%dma_wait3A_22 : memref<10000x128xf32, #tpu.memory_space<hbm>>) dst(%arg7 : memref<64x128xf32, #tpu.memory_space<vmem>>)
    %run_scoped3A = arith.constant 156 : i32
    "tpu.region"() ({
      %run_scoped3A_28 = tpu.sem_alloc : memref<!tpu.dma_semaphore, #tpu.memory_space<semaphore_mem>>
      %dma_start3A_29 = arith.constant 64 : i32
      %dma_start3A_30 = tpu.memref_slice %arg6[%run_scoped3A, %dma_start3A_29] : memref<157x128xi32, #tpu.memory_space<vmem>> -> memref<1x64xi32, #tpu.memory_space<vmem>>
      %dma_start3A_31 = tpu.memref_squeeze %dma_start3A_30 : memref<1x64xi32, #tpu.memory_space<vmem>> -> memref<64xi32, #tpu.memory_space<vmem>>
      %dma_start3A_32 = arith.constant 0 : i32
      %dma_start3A_33 = arith.constant 0 : i32
      %dma_start3A_34 = tpu.memref_slice %arg9[%dma_start3A_32, %dma_start3A_33] : memref<10240x128xf32, #tpu.memory_space<vmem_shared>> -> memref<10240x128xf32, #tpu.memory_space<vmem_shared>>
      tpu.enqueue_indirect_dma source(%arg7 : memref<64x128xf32, #tpu.memory_space<vmem>>) target(%dma_start3A_34 : memref<10240x128xf32, #tpu.memory_space<vmem_shared>>) offsets(%dma_start3A_31 : memref<64xi32, #tpu.memory_space<vmem>>) semaphore(%run_scoped3A_28 : memref<!tpu.dma_semaphore, #tpu.memory_space<semaphore_mem>>) {add = true}
      %dma_wait3A_35 = arith.constant 64 : i32
      %dma_wait3A_36 = tpu.memref_slice %arg6[%run_scoped3A, %dma_wait3A_35] : memref<157x128xi32, #tpu.memory_space<vmem>> -> memref<1x64xi32, #tpu.memory_space<vmem>>
      %dma_wait3A_37 = tpu.memref_squeeze %dma_wait3A_36 : memref<1x64xi32, #tpu.memory_space<vmem>> -> memref<64xi32, #tpu.memory_space<vmem>>
      %dma_wait3A_38 = arith.constant 0 : i32
      %dma_wait3A_39 = arith.constant 0 : i32
      %dma_wait3A_40 = tpu.memref_slice %arg9[%dma_wait3A_38, %dma_wait3A_39] : memref<10240x128xf32, #tpu.memory_space<vmem_shared>> -> memref<10240x128xf32, #tpu.memory_space<vmem_shared>>
      tpu.wait_indirect_dma semaphore(%run_scoped3A_28 : memref<!tpu.dma_semaphore, #tpu.memory_space<semaphore_mem>>) src(%arg7 : memref<64x128xf32, #tpu.memory_space<vmem>>) dst(%dma_wait3A_40 : memref<10240x128xf32, #tpu.memory_space<vmem_shared>>)
      tpu.yield
    }) : () -> ()
    %barrier3A_23 = arith.constant 0 : index
    tpu.barrier barrier_id(%barrier3A_23)
    %mul3A_24 = arith.constant 640 : i32
    %mul3A_25 = arith.muli %arg1, %mul3A_24 : i32
    %mul3A_26 = arith.constant 640 : i32
    %mul3A_27 = arith.muli %arg1, %mul3A_26 : i32
    "tpu.region"() ({
      %run_scoped3A_28 = tpu.sem_alloc : memref<!tpu.dma_semaphore, #tpu.memory_space<semaphore_mem>>
      %dma_start3A_29 = arith.constant 0 : i32
      %dma_start3A_30 = tpu.memref_slice %arg5[%arg0, %mul3A_27, %dma_start3A_29] : memref<2x10240x128xf32, #tpu.memory_space<hbm>> -> memref<1x640x128xf32, #tpu.memory_space<hbm>>
      %dma_start3A_31 = tpu.memref_squeeze %dma_start3A_30 : memref<1x640x128xf32, #tpu.memory_space<hbm>> -> memref<640x128xf32, #tpu.memory_space<hbm>>
      %dma_start3A_32 = arith.constant 0 : i32
      %dma_start3A_33 = tpu.memref_slice %arg9[%mul3A_25, %dma_start3A_32] : memref<10240x128xf32, #tpu.memory_space<vmem_shared>> -> memref<640x128xf32, #tpu.memory_space<vmem_shared>>
      tpu.enqueue_dma source(%dma_start3A_33 : memref<640x128xf32, #tpu.memory_space<vmem_shared>>) target(%dma_start3A_31 : memref<640x128xf32, #tpu.memory_space<hbm>>) target_semaphore(%run_scoped3A_28 : memref<!tpu.dma_semaphore, #tpu.memory_space<semaphore_mem>>)
      %dma_wait3A_34 = arith.constant 0 : i32
      %dma_wait3A_35 = tpu.memref_slice %arg5[%arg0, %mul3A_27, %dma_wait3A_34] : memref<2x10240x128xf32, #tpu.memory_space<hbm>> -> memref<1x640x128xf32, #tpu.memory_space<hbm>>
      %dma_wait3A_36 = tpu.memref_squeeze %dma_wait3A_35 : memref<1x640x128xf32, #tpu.memory_space<hbm>> -> memref<640x128xf32, #tpu.memory_space<hbm>>
      %dma_wait3A_37 = arith.constant 0 : i32
      %dma_wait3A_38 = tpu.memref_slice %arg9[%mul3A_25, %dma_wait3A_37] : memref<10240x128xf32, #tpu.memory_space<vmem_shared>> -> memref<640x128xf32, #tpu.memory_space<vmem_shared>>
      tpu.wait_dma2 semaphore(%run_scoped3A_28 : memref<!tpu.dma_semaphore, #tpu.memory_space<semaphore_mem>>) src(%dma_wait3A_38 : memref<640x128xf32, #tpu.memory_space<vmem_shared>>) dst(%dma_wait3A_36 : memref<640x128xf32, #tpu.memory_space<hbm>>)
      tpu.yield
    }) : () -> ()
    return
  }
}

#map = affine_map<(d0, d1) -> (0, 0)>
#map1 = affine_map<(d0, d1) -> (0, 0, 0)>
module attributes {stable_mosaic.version = 14 : i64} {
  func.func @_agg_body(%arg0: i32, %arg1: i32, %arg2: memref<10000x128xf32, #tpu.memory_space<hbm>>, %arg3: memref<32x157x128xi32, #tpu.memory_space<hbm>>, %arg4: memref<10240x128xf32, #tpu.memory_space<hbm>>, %arg5: memref<2x10240x128xf32, #tpu.memory_space<hbm>>, %arg6: memref<157x128xi32, #tpu.memory_space<vmem>>, %arg7: memref<64x128xf32, #tpu.memory_space<vmem>>, %arg8: memref<64x128xf32, #tpu.memory_space<vmem>>, %arg9: memref<10240x128xf32, #tpu.memory_space<vmem_shared>>, %arg10: memref<!tpu.dma_semaphore, #tpu.memory_space<semaphore_mem>>, %arg11: memref<!tpu.dma_semaphore, #tpu.memory_space<semaphore_mem>>) attributes {dimension_semantics = [#tpu.dimension_semantics<core_parallel>, #tpu.dimension_semantics<subcore_parallel>], iteration_bounds = array<i64: 2, 16>, scalar_prefetch = 0 : i64, scratch_operands = 6 : i64, tpu.core_type = #tpu.core_type<sc_vector_subcore>, window_params = [{transform_indices = #map}, {transform_indices = #map1}, {transform_indices = #map}, {transform_indices = #map1}]} {
    %mul3A = arith.constant 2 : i32
    %mul3A_0 = arith.muli %arg1, %mul3A : i32
    %add3A = arith.addi %mul3A_0, %arg0 : i32
    "tpu.region"() ({
      %run_scoped3A_28 = tpu.sem_alloc : memref<!tpu.dma_semaphore, #tpu.memory_space<semaphore_mem>>
      %dma_start3A_29 = arith.constant 0 : i32
      %dma_start3A_30 = arith.constant 0 : i32
      %dma_start3A_31 = tpu.memref_slice %arg3[%add3A, %dma_start3A_29, %dma_start3A_30] : memref<32x157x128xi32, #tpu.memory_space<hbm>> -> memref<1x157x128xi32, #tpu.memory_space<hbm>>
      %dma_start3A_32 = tpu.memref_squeeze %dma_start3A_31 : memref<1x157x128xi32, #tpu.memory_space<hbm>> -> memref<157x128xi32, #tpu.memory_space<hbm>>
      %dma_start3A_33 = arith.constant 0 : i32
      %dma_start3A_34 = arith.constant 0 : i32
      %dma_start3A_35 = tpu.memref_slice %arg3[%add3A, %dma_start3A_33, %dma_start3A_34] : memref<32x157x128xi32, #tpu.memory_space<hbm>> -> memref<1x157x128xi32, #tpu.memory_space<hbm>>
      %dma_start3A_36 = tpu.memref_squeeze %dma_start3A_35 : memref<1x157x128xi32, #tpu.memory_space<hbm>> -> memref<157x128xi32, #tpu.memory_space<hbm>>
      tpu.enqueue_dma source(%dma_start3A_36 : memref<157x128xi32, #tpu.memory_space<hbm>>) target(%arg6 : memref<157x128xi32, #tpu.memory_space<vmem>>) target_semaphore(%run_scoped3A_28 : memref<!tpu.dma_semaphore, #tpu.memory_space<semaphore_mem>>)
      %dma_wait3A_37 = arith.constant 0 : i32
      %dma_wait3A_38 = arith.constant 0 : i32
      %dma_wait3A_39 = tpu.memref_slice %arg3[%add3A, %dma_wait3A_37, %dma_wait3A_38] : memref<32x157x128xi32, #tpu.memory_space<hbm>> -> memref<1x157x128xi32, #tpu.memory_space<hbm>>
      %dma_wait3A_40 = tpu.memref_squeeze %dma_wait3A_39 : memref<1x157x128xi32, #tpu.memory_space<hbm>> -> memref<157x128xi32, #tpu.memory_space<hbm>>
      %dma_wait3A_41 = arith.constant 0 : i32
      %dma_wait3A_42 = arith.constant 0 : i32
      %dma_wait3A_43 = tpu.memref_slice %arg3[%add3A, %dma_wait3A_41, %dma_wait3A_42] : memref<32x157x128xi32, #tpu.memory_space<hbm>> -> memref<1x157x128xi32, #tpu.memory_space<hbm>>
      %dma_wait3A_44 = tpu.memref_squeeze %dma_wait3A_43 : memref<1x157x128xi32, #tpu.memory_space<hbm>> -> memref<157x128xi32, #tpu.memory_space<hbm>>
      tpu.wait_dma2 semaphore(%run_scoped3A_28 : memref<!tpu.dma_semaphore, #tpu.memory_space<semaphore_mem>>) src(%dma_wait3A_44 : memref<157x128xi32, #tpu.memory_space<hbm>>) dst(%arg6 : memref<157x128xi32, #tpu.memory_space<vmem>>)
      tpu.yield
    }) : () -> ()
    %dma_start3A = arith.constant 0 : i32
    %dma_start3A_1 = arith.constant 0 : i32
    %dma_start3A_2 = tpu.memref_slice %arg6[%dma_start3A, %dma_start3A_1] : memref<157x128xi32, #tpu.memory_space<vmem>> -> memref<1x64xi32, #tpu.memory_space<vmem>>
    %dma_start3A_3 = tpu.memref_squeeze %dma_start3A_2 : memref<1x64xi32, #tpu.memory_space<vmem>> -> memref<64xi32, #tpu.memory_space<vmem>>
    %dma_start3A_4 = arith.constant 0 : i32
    %dma_start3A_5 = arith.constant 0 : i32
    %dma_start3A_6 = tpu.memref_slice %arg2[%dma_start3A_4, %dma_start3A_5] : memref<10000x128xf32, #tpu.memory_space<hbm>> -> memref<10000x128xf32, #tpu.memory_space<hbm>>
    tpu.enqueue_indirect_dma source(%dma_start3A_6 : memref<10000x128xf32, #tpu.memory_space<hbm>>) target(%arg7 : memref<64x128xf32, #tpu.memory_space<vmem>>) offsets(%dma_start3A_3 : memref<64xi32, #tpu.memory_space<vmem>>) semaphore(%arg10 : memref<!tpu.dma_semaphore, #tpu.memory_space<semaphore_mem>>)
    %mul3A_7 = arith.constant 640 : i32
    %mul3A_8 = arith.muli %arg1, %mul3A_7 : i32
    %mul3A_9 = arith.constant 640 : i32
    %mul3A_10 = arith.muli %arg1, %mul3A_9 : i32
    "tpu.region"() ({
      %run_scoped3A_28 = tpu.sem_alloc : memref<!tpu.dma_semaphore, #tpu.memory_space<semaphore_mem>>
      %dma_start3A_29 = arith.constant 0 : i32
      %dma_start3A_30 = tpu.memref_slice %arg9[%mul3A_10, %dma_start3A_29] : memref<10240x128xf32, #tpu.memory_space<vmem_shared>> -> memref<640x128xf32, #tpu.memory_space<vmem_shared>>
      %dma_start3A_31 = arith.constant 0 : i32
      %dma_start3A_32 = tpu.memref_slice %arg4[%mul3A_8, %dma_start3A_31] : memref<10240x128xf32, #tpu.memory_space<hbm>> -> memref<640x128xf32, #tpu.memory_space<hbm>>
      tpu.enqueue_dma source(%dma_start3A_32 : memref<640x128xf32, #tpu.memory_space<hbm>>) target(%dma_start3A_30 : memref<640x128xf32, #tpu.memory_space<vmem_shared>>) target_semaphore(%run_scoped3A_28 : memref<!tpu.dma_semaphore, #tpu.memory_space<semaphore_mem>>)
      %dma_wait3A_33 = arith.constant 0 : i32
      %dma_wait3A_34 = tpu.memref_slice %arg9[%mul3A_10, %dma_wait3A_33] : memref<10240x128xf32, #tpu.memory_space<vmem_shared>> -> memref<640x128xf32, #tpu.memory_space<vmem_shared>>
      %dma_wait3A_35 = arith.constant 0 : i32
      %dma_wait3A_36 = tpu.memref_slice %arg4[%mul3A_8, %dma_wait3A_35] : memref<10240x128xf32, #tpu.memory_space<hbm>> -> memref<640x128xf32, #tpu.memory_space<hbm>>
      tpu.wait_dma2 semaphore(%run_scoped3A_28 : memref<!tpu.dma_semaphore, #tpu.memory_space<semaphore_mem>>) src(%dma_wait3A_36 : memref<640x128xf32, #tpu.memory_space<hbm>>) dst(%dma_wait3A_34 : memref<640x128xf32, #tpu.memory_space<vmem_shared>>)
      tpu.yield
    }) : () -> ()
    %barrier3A = arith.constant 0 : index
    tpu.barrier barrier_id(%barrier3A)
    %scan3A = arith.constant 0 : i32
    %scan3A_11 = arith.constant 0 : i32
    %scan3A_12 = arith.constant 0 : i32
    %scan3A_13 = arith.constant 78 : i32
    %scan3A_14 = arith.addi %scan3A_12, %scan3A_13 : i32
    %scan3A_15 = arith.constant 1 : i32
    scf.for %scan3A_28 = %scan3A_12 to %scan3A_14 step %scan3A_15  : i32 {
      %mul3A_29 = arith.constant 2 : i32
      %mul3A_30 = arith.muli %mul3A_29, %scan3A_28 : i32
      %add3A_31 = arith.constant 1 : i32
      %add3A_32 = arith.addi %mul3A_30, %add3A_31 : i32
      %dma_start3A_33 = arith.constant 0 : i32
      %dma_start3A_34 = tpu.memref_slice %arg6[%add3A_32, %dma_start3A_33] : memref<157x128xi32, #tpu.memory_space<vmem>> -> memref<1x64xi32, #tpu.memory_space<vmem>>
      %dma_start3A_35 = tpu.memref_squeeze %dma_start3A_34 : memref<1x64xi32, #tpu.memory_space<vmem>> -> memref<64xi32, #tpu.memory_space<vmem>>
      %dma_start3A_36 = arith.constant 0 : i32
      %dma_start3A_37 = arith.constant 0 : i32
      %dma_start3A_38 = tpu.memref_slice %arg2[%dma_start3A_36, %dma_start3A_37] : memref<10000x128xf32, #tpu.memory_space<hbm>> -> memref<10000x128xf32, #tpu.memory_space<hbm>>
      tpu.enqueue_indirect_dma source(%dma_start3A_38 : memref<10000x128xf32, #tpu.memory_space<hbm>>) target(%arg8 : memref<64x128xf32, #tpu.memory_space<vmem>>) offsets(%dma_start3A_35 : memref<64xi32, #tpu.memory_space<vmem>>) semaphore(%arg11 : memref<!tpu.dma_semaphore, #tpu.memory_space<semaphore_mem>>)
      %dma_wait3A_39 = arith.constant 0 : i32
      %dma_wait3A_40 = tpu.memref_slice %arg6[%scan3A_11, %dma_wait3A_39] : memref<157x128xi32, #tpu.memory_space<vmem>> -> memref<1x64xi32, #tpu.memory_space<vmem>>
      %dma_wait3A_41 = tpu.memref_squeeze %dma_wait3A_40 : memref<1x64xi32, #tpu.memory_space<vmem>> -> memref<64xi32, #tpu.memory_space<vmem>>
      %dma_wait3A_42 = arith.constant 0 : i32
      %dma_wait3A_43 = arith.constant 0 : i32
      %dma_wait3A_44 = tpu.memref_slice %arg2[%dma_wait3A_42, %dma_wait3A_43] : memref<10000x128xf32, #tpu.memory_space<hbm>> -> memref<10000x128xf32, #tpu.memory_space<hbm>>
      tpu.wait_indirect_dma semaphore(%arg10 : memref<!tpu.dma_semaphore, #tpu.memory_space<semaphore_mem>>) src(%dma_wait3A_44 : memref<10000x128xf32, #tpu.memory_space<hbm>>) dst(%arg7 : memref<64x128xf32, #tpu.memory_space<vmem>>)
      "tpu.region"() ({
        %run_scoped3A_61 = tpu.sem_alloc : memref<!tpu.dma_semaphore, #tpu.memory_space<semaphore_mem>>
        %dma_start3A_62 = arith.constant 64 : i32
        %dma_start3A_63 = tpu.memref_slice %arg6[%mul3A_30, %dma_start3A_62] : memref<157x128xi32, #tpu.memory_space<vmem>> -> memref<1x64xi32, #tpu.memory_space<vmem>>
        %dma_start3A_64 = tpu.memref_squeeze %dma_start3A_63 : memref<1x64xi32, #tpu.memory_space<vmem>> -> memref<64xi32, #tpu.memory_space<vmem>>
        %dma_start3A_65 = arith.constant 0 : i32
        %dma_start3A_66 = arith.constant 0 : i32
        %dma_start3A_67 = tpu.memref_slice %arg9[%dma_start3A_65, %dma_start3A_66] : memref<10240x128xf32, #tpu.memory_space<vmem_shared>> -> memref<10240x128xf32, #tpu.memory_space<vmem_shared>>
        tpu.enqueue_indirect_dma source(%arg7 : memref<64x128xf32, #tpu.memory_space<vmem>>) target(%dma_start3A_67 : memref<10240x128xf32, #tpu.memory_space<vmem_shared>>) offsets(%dma_start3A_64 : memref<64xi32, #tpu.memory_space<vmem>>) semaphore(%run_scoped3A_61 : memref<!tpu.dma_semaphore, #tpu.memory_space<semaphore_mem>>) {add = true}
        %dma_wait3A_68 = arith.constant 64 : i32
        %dma_wait3A_69 = tpu.memref_slice %arg6[%mul3A_30, %dma_wait3A_68] : memref<157x128xi32, #tpu.memory_space<vmem>> -> memref<1x64xi32, #tpu.memory_space<vmem>>
        %dma_wait3A_70 = tpu.memref_squeeze %dma_wait3A_69 : memref<1x64xi32, #tpu.memory_space<vmem>> -> memref<64xi32, #tpu.memory_space<vmem>>
        %dma_wait3A_71 = arith.constant 0 : i32
        %dma_wait3A_72 = arith.constant 0 : i32
        %dma_wait3A_73 = tpu.memref_slice %arg9[%dma_wait3A_71, %dma_wait3A_72] : memref<10240x128xf32, #tpu.memory_space<vmem_shared>> -> memref<10240x128xf32, #tpu.memory_space<vmem_shared>>
        tpu.wait_indirect_dma semaphore(%run_scoped3A_61 : memref<!tpu.dma_semaphore, #tpu.memory_space<semaphore_mem>>) src(%arg7 : memref<64x128xf32, #tpu.memory_space<vmem>>) dst(%dma_wait3A_73 : memref<10240x128xf32, #tpu.memory_space<vmem_shared>>)
        tpu.yield
      }) : () -> ()
      %add3A_45 = arith.constant 2 : i32
      %add3A_46 = arith.addi %mul3A_30, %add3A_45 : i32
      %dma_start3A_47 = arith.constant 0 : i32
      %dma_start3A_48 = tpu.memref_slice %arg6[%add3A_46, %dma_start3A_47] : memref<157x128xi32, #tpu.memory_space<vmem>> -> memref<1x64xi32, #tpu.memory_space<vmem>>
      %dma_start3A_49 = tpu.memref_squeeze %dma_start3A_48 : memref<1x64xi32, #tpu.memory_space<vmem>> -> memref<64xi32, #tpu.memory_space<vmem>>
      %dma_start3A_50 = arith.constant 0 : i32
      %dma_start3A_51 = arith.constant 0 : i32
      %dma_start3A_52 = tpu.memref_slice %arg2[%dma_start3A_50, %dma_start3A_51] : memref<10000x128xf32, #tpu.memory_space<hbm>> -> memref<10000x128xf32, #tpu.memory_space<hbm>>
      tpu.enqueue_indirect_dma source(%dma_start3A_52 : memref<10000x128xf32, #tpu.memory_space<hbm>>) target(%arg7 : memref<64x128xf32, #tpu.memory_space<vmem>>) offsets(%dma_start3A_49 : memref<64xi32, #tpu.memory_space<vmem>>) semaphore(%arg10 : memref<!tpu.dma_semaphore, #tpu.memory_space<semaphore_mem>>)
      %dma_wait3A_53 = arith.constant 0 : i32
      %dma_wait3A_54 = tpu.memref_slice %arg6[%add3A_32, %dma_wait3A_53] : memref<157x128xi32, #tpu.memory_space<vmem>> -> memref<1x64xi32, #tpu.memory_space<vmem>>
      %dma_wait3A_55 = tpu.memref_squeeze %dma_wait3A_54 : memref<1x64xi32, #tpu.memory_space<vmem>> -> memref<64xi32, #tpu.memory_space<vmem>>
      %dma_wait3A_56 = arith.constant 0 : i32
      %dma_wait3A_57 = arith.constant 0 : i32
      %dma_wait3A_58 = tpu.memref_slice %arg2[%dma_wait3A_56, %dma_wait3A_57] : memref<10000x128xf32, #tpu.memory_space<hbm>> -> memref<10000x128xf32, #tpu.memory_space<hbm>>
      tpu.wait_indirect_dma semaphore(%arg11 : memref<!tpu.dma_semaphore, #tpu.memory_space<semaphore_mem>>) src(%dma_wait3A_58 : memref<10000x128xf32, #tpu.memory_space<hbm>>) dst(%arg8 : memref<64x128xf32, #tpu.memory_space<vmem>>)
      %add3A_59 = arith.constant 1 : i32
      %add3A_60 = arith.addi %mul3A_30, %add3A_59 : i32
      "tpu.region"() ({
        %run_scoped3A_61 = tpu.sem_alloc : memref<!tpu.dma_semaphore, #tpu.memory_space<semaphore_mem>>
        %dma_start3A_62 = arith.constant 64 : i32
        %dma_start3A_63 = tpu.memref_slice %arg6[%add3A_60, %dma_start3A_62] : memref<157x128xi32, #tpu.memory_space<vmem>> -> memref<1x64xi32, #tpu.memory_space<vmem>>
        %dma_start3A_64 = tpu.memref_squeeze %dma_start3A_63 : memref<1x64xi32, #tpu.memory_space<vmem>> -> memref<64xi32, #tpu.memory_space<vmem>>
        %dma_start3A_65 = arith.constant 0 : i32
        %dma_start3A_66 = arith.constant 0 : i32
        %dma_start3A_67 = tpu.memref_slice %arg9[%dma_start3A_65, %dma_start3A_66] : memref<10240x128xf32, #tpu.memory_space<vmem_shared>> -> memref<10240x128xf32, #tpu.memory_space<vmem_shared>>
        tpu.enqueue_indirect_dma source(%arg8 : memref<64x128xf32, #tpu.memory_space<vmem>>) target(%dma_start3A_67 : memref<10240x128xf32, #tpu.memory_space<vmem_shared>>) offsets(%dma_start3A_64 : memref<64xi32, #tpu.memory_space<vmem>>) semaphore(%run_scoped3A_61 : memref<!tpu.dma_semaphore, #tpu.memory_space<semaphore_mem>>) {add = true}
        %dma_wait3A_68 = arith.constant 64 : i32
        %dma_wait3A_69 = tpu.memref_slice %arg6[%add3A_60, %dma_wait3A_68] : memref<157x128xi32, #tpu.memory_space<vmem>> -> memref<1x64xi32, #tpu.memory_space<vmem>>
        %dma_wait3A_70 = tpu.memref_squeeze %dma_wait3A_69 : memref<1x64xi32, #tpu.memory_space<vmem>> -> memref<64xi32, #tpu.memory_space<vmem>>
        %dma_wait3A_71 = arith.constant 0 : i32
        %dma_wait3A_72 = arith.constant 0 : i32
        %dma_wait3A_73 = tpu.memref_slice %arg9[%dma_wait3A_71, %dma_wait3A_72] : memref<10240x128xf32, #tpu.memory_space<vmem_shared>> -> memref<10240x128xf32, #tpu.memory_space<vmem_shared>>
        tpu.wait_indirect_dma semaphore(%run_scoped3A_61 : memref<!tpu.dma_semaphore, #tpu.memory_space<semaphore_mem>>) src(%arg8 : memref<64x128xf32, #tpu.memory_space<vmem>>) dst(%dma_wait3A_73 : memref<10240x128xf32, #tpu.memory_space<vmem_shared>>)
        tpu.yield
      }) : () -> ()
    }
    %scan3A_16 = arith.constant 78 : i32
    %dma_wait3A = arith.constant 0 : i32
    %dma_wait3A_17 = arith.constant 0 : i32
    %dma_wait3A_18 = tpu.memref_slice %arg6[%dma_wait3A, %dma_wait3A_17] : memref<157x128xi32, #tpu.memory_space<vmem>> -> memref<1x64xi32, #tpu.memory_space<vmem>>
    %dma_wait3A_19 = tpu.memref_squeeze %dma_wait3A_18 : memref<1x64xi32, #tpu.memory_space<vmem>> -> memref<64xi32, #tpu.memory_space<vmem>>
    %dma_wait3A_20 = arith.constant 0 : i32
    %dma_wait3A_21 = arith.constant 0 : i32
    %dma_wait3A_22 = tpu.memref_slice %arg2[%dma_wait3A_20, %dma_wait3A_21] : memref<10000x128xf32, #tpu.memory_space<hbm>> -> memref<10000x128xf32, #tpu.memory_space<hbm>>
    tpu.wait_indirect_dma semaphore(%arg10 : memref<!tpu.dma_semaphore, #tpu.memory_space<semaphore_mem>>) src(%dma_wait3A_22 : memref<10000x128xf32, #tpu.memory_space<hbm>>) dst(%arg7 : memref<64x128xf32, #tpu.memory_space<vmem>>)
    %run_scoped3A = arith.constant 156 : i32
    "tpu.region"() ({
      %run_scoped3A_28 = tpu.sem_alloc : memref<!tpu.dma_semaphore, #tpu.memory_space<semaphore_mem>>
      %dma_start3A_29 = arith.constant 64 : i32
      %dma_start3A_30 = tpu.memref_slice %arg6[%run_scoped3A, %dma_start3A_29] : memref<157x128xi32, #tpu.memory_space<vmem>> -> memref<1x64xi32, #tpu.memory_space<vmem>>
      %dma_start3A_31 = tpu.memref_squeeze %dma_start3A_30 : memref<1x64xi32, #tpu.memory_space<vmem>> -> memref<64xi32, #tpu.memory_space<vmem>>
      %dma_start3A_32 = arith.constant 0 : i32
      %dma_start3A_33 = arith.constant 0 : i32
      %dma_start3A_34 = tpu.memref_slice %arg9[%dma_start3A_32, %dma_start3A_33] : memref<10240x128xf32, #tpu.memory_space<vmem_shared>> -> memref<10240x128xf32, #tpu.memory_space<vmem_shared>>
      tpu.enqueue_indirect_dma source(%arg7 : memref<64x128xf32, #tpu.memory_space<vmem>>) target(%dma_start3A_34 : memref<10240x128xf32, #tpu.memory_space<vmem_shared>>) offsets(%dma_start3A_31 : memref<64xi32, #tpu.memory_space<vmem>>) semaphore(%run_scoped3A_28 : memref<!tpu.dma_semaphore, #tpu.memory_space<semaphore_mem>>) {add = true}
      %dma_wait3A_35 = arith.constant 64 : i32
      %dma_wait3A_36 = tpu.memref_slice %arg6[%run_scoped3A, %dma_wait3A_35] : memref<157x128xi32, #tpu.memory_space<vmem>> -> memref<1x64xi32, #tpu.memory_space<vmem>>
      %dma_wait3A_37 = tpu.memref_squeeze %dma_wait3A_36 : memref<1x64xi32, #tpu.memory_space<vmem>> -> memref<64xi32, #tpu.memory_space<vmem>>
      %dma_wait3A_38 = arith.constant 0 : i32
      %dma_wait3A_39 = arith.constant 0 : i32
      %dma_wait3A_40 = tpu.memref_slice %arg9[%dma_wait3A_38, %dma_wait3A_39] : memref<10240x128xf32, #tpu.memory_space<vmem_shared>> -> memref<10240x128xf32, #tpu.memory_space<vmem_shared>>
      tpu.wait_indirect_dma semaphore(%run_scoped3A_28 : memref<!tpu.dma_semaphore, #tpu.memory_space<semaphore_mem>>) src(%arg7 : memref<64x128xf32, #tpu.memory_space<vmem>>) dst(%dma_wait3A_40 : memref<10240x128xf32, #tpu.memory_space<vmem_shared>>)
      tpu.yield
    }) : () -> ()
    %barrier3A_23 = arith.constant 0 : index
    tpu.barrier barrier_id(%barrier3A_23)
    %mul3A_24 = arith.constant 640 : i32
    %mul3A_25 = arith.muli %arg1, %mul3A_24 : i32
    %mul3A_26 = arith.constant 640 : i32
    %mul3A_27 = arith.muli %arg1, %mul3A_26 : i32
    "tpu.region"() ({
      %run_scoped3A_28 = tpu.sem_alloc : memref<!tpu.dma_semaphore, #tpu.memory_space<semaphore_mem>>
      %dma_start3A_29 = arith.constant 0 : i32
      %dma_start3A_30 = tpu.memref_slice %arg5[%arg0, %mul3A_27, %dma_start3A_29] : memref<2x10240x128xf32, #tpu.memory_space<hbm>> -> memref<1x640x128xf32, #tpu.memory_space<hbm>>
      %dma_start3A_31 = tpu.memref_squeeze %dma_start3A_30 : memref<1x640x128xf32, #tpu.memory_space<hbm>> -> memref<640x128xf32, #tpu.memory_space<hbm>>
      %dma_start3A_32 = arith.constant 0 : i32
      %dma_start3A_33 = tpu.memref_slice %arg9[%mul3A_25, %dma_start3A_32] : memref<10240x128xf32, #tpu.memory_space<vmem_shared>> -> memref<640x128xf32, #tpu.memory_space<vmem_shared>>
      tpu.enqueue_dma source(%dma_start3A_33 : memref<640x128xf32, #tpu.memory_space<vmem_shared>>) target(%dma_start3A_31 : memref<640x128xf32, #tpu.memory_space<hbm>>) target_semaphore(%run_scoped3A_28 : memref<!tpu.dma_semaphore, #tpu.memory_space<semaphore_mem>>)
      %dma_wait3A_34 = arith.constant 0 : i32
      %dma_wait3A_35 = tpu.memref_slice %arg5[%arg0, %mul3A_27, %dma_wait3A_34] : memref<2x10240x128xf32, #tpu.memory_space<hbm>> -> memref<1x640x128xf32, #tpu.memory_space<hbm>>
      %dma_wait3A_36 = tpu.memref_squeeze %dma_wait3A_35 : memref<1x640x128xf32, #tpu.memory_space<hbm>> -> memref<640x128xf32, #tpu.memory_space<hbm>>
      %dma_wait3A_37 = arith.constant 0 : i32
      %dma_wait3A_38 = tpu.memref_slice %arg9[%mul3A_25, %dma_wait3A_37] : memref<10240x128xf32, #tpu.memory_space<vmem_shared>> -> memref<640x128xf32, #tpu.memory_space<vmem_shared>>
      tpu.wait_dma2 semaphore(%run_scoped3A_28 : memref<!tpu.dma_semaphore, #tpu.memory_space<semaphore_mem>>) src(%dma_wait3A_38 : memref<640x128xf32, #tpu.memory_space<vmem_shared>>) dst(%dma_wait3A_36 : memref<640x128xf32, #tpu.memory_space<hbm>>)
      tpu.yield
    }) : () -> ()
    return
  }
}

#map = affine_map<(d0, d1) -> (0, 0)>
#map1 = affine_map<(d0, d1) -> (0, 0, 0)>
module attributes {stable_mosaic.version = 14 : i64} {
  func.func @_agg_body(%arg0: i32, %arg1: i32, %arg2: memref<10000x128xf32, #tpu.memory_space<hbm>>, %arg3: memref<32x157x128xi32, #tpu.memory_space<hbm>>, %arg4: memref<10240x128xf32, #tpu.memory_space<hbm>>, %arg5: memref<2x10240x128xf32, #tpu.memory_space<hbm>>, %arg6: memref<157x128xi32, #tpu.memory_space<vmem>>, %arg7: memref<64x128xf32, #tpu.memory_space<vmem>>, %arg8: memref<64x128xf32, #tpu.memory_space<vmem>>, %arg9: memref<10240x128xf32, #tpu.memory_space<vmem_shared>>, %arg10: memref<!tpu.dma_semaphore, #tpu.memory_space<semaphore_mem>>, %arg11: memref<!tpu.dma_semaphore, #tpu.memory_space<semaphore_mem>>) attributes {dimension_semantics = [#tpu.dimension_semantics<core_parallel>, #tpu.dimension_semantics<subcore_parallel>], iteration_bounds = array<i64: 2, 16>, scalar_prefetch = 0 : i64, scratch_operands = 6 : i64, tpu.core_type = #tpu.core_type<sc_vector_subcore>, window_params = [{transform_indices = #map}, {transform_indices = #map1}, {transform_indices = #map}, {transform_indices = #map1}]} {
    %mul3A = arith.constant 2 : i32
    %mul3A_0 = arith.muli %arg1, %mul3A : i32
    %add3A = arith.addi %mul3A_0, %arg0 : i32
    "tpu.region"() ({
      %run_scoped3A_28 = tpu.sem_alloc : memref<!tpu.dma_semaphore, #tpu.memory_space<semaphore_mem>>
      %dma_start3A_29 = arith.constant 0 : i32
      %dma_start3A_30 = arith.constant 0 : i32
      %dma_start3A_31 = tpu.memref_slice %arg3[%add3A, %dma_start3A_29, %dma_start3A_30] : memref<32x157x128xi32, #tpu.memory_space<hbm>> -> memref<1x157x128xi32, #tpu.memory_space<hbm>>
      %dma_start3A_32 = tpu.memref_squeeze %dma_start3A_31 : memref<1x157x128xi32, #tpu.memory_space<hbm>> -> memref<157x128xi32, #tpu.memory_space<hbm>>
      %dma_start3A_33 = arith.constant 0 : i32
      %dma_start3A_34 = arith.constant 0 : i32
      %dma_start3A_35 = tpu.memref_slice %arg3[%add3A, %dma_start3A_33, %dma_start3A_34] : memref<32x157x128xi32, #tpu.memory_space<hbm>> -> memref<1x157x128xi32, #tpu.memory_space<hbm>>
      %dma_start3A_36 = tpu.memref_squeeze %dma_start3A_35 : memref<1x157x128xi32, #tpu.memory_space<hbm>> -> memref<157x128xi32, #tpu.memory_space<hbm>>
      tpu.enqueue_dma source(%dma_start3A_36 : memref<157x128xi32, #tpu.memory_space<hbm>>) target(%arg6 : memref<157x128xi32, #tpu.memory_space<vmem>>) target_semaphore(%run_scoped3A_28 : memref<!tpu.dma_semaphore, #tpu.memory_space<semaphore_mem>>)
      %dma_wait3A_37 = arith.constant 0 : i32
      %dma_wait3A_38 = arith.constant 0 : i32
      %dma_wait3A_39 = tpu.memref_slice %arg3[%add3A, %dma_wait3A_37, %dma_wait3A_38] : memref<32x157x128xi32, #tpu.memory_space<hbm>> -> memref<1x157x128xi32, #tpu.memory_space<hbm>>
      %dma_wait3A_40 = tpu.memref_squeeze %dma_wait3A_39 : memref<1x157x128xi32, #tpu.memory_space<hbm>> -> memref<157x128xi32, #tpu.memory_space<hbm>>
      %dma_wait3A_41 = arith.constant 0 : i32
      %dma_wait3A_42 = arith.constant 0 : i32
      %dma_wait3A_43 = tpu.memref_slice %arg3[%add3A, %dma_wait3A_41, %dma_wait3A_42] : memref<32x157x128xi32, #tpu.memory_space<hbm>> -> memref<1x157x128xi32, #tpu.memory_space<hbm>>
      %dma_wait3A_44 = tpu.memref_squeeze %dma_wait3A_43 : memref<1x157x128xi32, #tpu.memory_space<hbm>> -> memref<157x128xi32, #tpu.memory_space<hbm>>
      tpu.wait_dma2 semaphore(%run_scoped3A_28 : memref<!tpu.dma_semaphore, #tpu.memory_space<semaphore_mem>>) src(%dma_wait3A_44 : memref<157x128xi32, #tpu.memory_space<hbm>>) dst(%arg6 : memref<157x128xi32, #tpu.memory_space<vmem>>)
      tpu.yield
    }) : () -> ()
    %dma_start3A = arith.constant 0 : i32
    %dma_start3A_1 = arith.constant 0 : i32
    %dma_start3A_2 = tpu.memref_slice %arg6[%dma_start3A, %dma_start3A_1] : memref<157x128xi32, #tpu.memory_space<vmem>> -> memref<1x64xi32, #tpu.memory_space<vmem>>
    %dma_start3A_3 = tpu.memref_squeeze %dma_start3A_2 : memref<1x64xi32, #tpu.memory_space<vmem>> -> memref<64xi32, #tpu.memory_space<vmem>>
    %dma_start3A_4 = arith.constant 0 : i32
    %dma_start3A_5 = arith.constant 0 : i32
    %dma_start3A_6 = tpu.memref_slice %arg2[%dma_start3A_4, %dma_start3A_5] : memref<10000x128xf32, #tpu.memory_space<hbm>> -> memref<10000x128xf32, #tpu.memory_space<hbm>>
    tpu.enqueue_indirect_dma source(%dma_start3A_6 : memref<10000x128xf32, #tpu.memory_space<hbm>>) target(%arg7 : memref<64x128xf32, #tpu.memory_space<vmem>>) offsets(%dma_start3A_3 : memref<64xi32, #tpu.memory_space<vmem>>) semaphore(%arg10 : memref<!tpu.dma_semaphore, #tpu.memory_space<semaphore_mem>>)
    %mul3A_7 = arith.constant 640 : i32
    %mul3A_8 = arith.muli %arg1, %mul3A_7 : i32
    %mul3A_9 = arith.constant 640 : i32
    %mul3A_10 = arith.muli %arg1, %mul3A_9 : i32
    "tpu.region"() ({
      %run_scoped3A_28 = tpu.sem_alloc : memref<!tpu.dma_semaphore, #tpu.memory_space<semaphore_mem>>
      %dma_start3A_29 = arith.constant 0 : i32
      %dma_start3A_30 = tpu.memref_slice %arg9[%mul3A_10, %dma_start3A_29] : memref<10240x128xf32, #tpu.memory_space<vmem_shared>> -> memref<640x128xf32, #tpu.memory_space<vmem_shared>>
      %dma_start3A_31 = arith.constant 0 : i32
      %dma_start3A_32 = tpu.memref_slice %arg4[%mul3A_8, %dma_start3A_31] : memref<10240x128xf32, #tpu.memory_space<hbm>> -> memref<640x128xf32, #tpu.memory_space<hbm>>
      tpu.enqueue_dma source(%dma_start3A_32 : memref<640x128xf32, #tpu.memory_space<hbm>>) target(%dma_start3A_30 : memref<640x128xf32, #tpu.memory_space<vmem_shared>>) target_semaphore(%run_scoped3A_28 : memref<!tpu.dma_semaphore, #tpu.memory_space<semaphore_mem>>)
      %dma_wait3A_33 = arith.constant 0 : i32
      %dma_wait3A_34 = tpu.memref_slice %arg9[%mul3A_10, %dma_wait3A_33] : memref<10240x128xf32, #tpu.memory_space<vmem_shared>> -> memref<640x128xf32, #tpu.memory_space<vmem_shared>>
      %dma_wait3A_35 = arith.constant 0 : i32
      %dma_wait3A_36 = tpu.memref_slice %arg4[%mul3A_8, %dma_wait3A_35] : memref<10240x128xf32, #tpu.memory_space<hbm>> -> memref<640x128xf32, #tpu.memory_space<hbm>>
      tpu.wait_dma2 semaphore(%run_scoped3A_28 : memref<!tpu.dma_semaphore, #tpu.memory_space<semaphore_mem>>) src(%dma_wait3A_36 : memref<640x128xf32, #tpu.memory_space<hbm>>) dst(%dma_wait3A_34 : memref<640x128xf32, #tpu.memory_space<vmem_shared>>)
      tpu.yield
    }) : () -> ()
    %barrier3A = arith.constant 0 : index
    tpu.barrier barrier_id(%barrier3A)
    %scan3A = arith.constant 0 : i32
    %scan3A_11 = arith.constant 0 : i32
    %scan3A_12 = arith.constant 0 : i32
    %scan3A_13 = arith.constant 78 : i32
    %scan3A_14 = arith.addi %scan3A_12, %scan3A_13 : i32
    %scan3A_15 = arith.constant 1 : i32
    scf.for %scan3A_28 = %scan3A_12 to %scan3A_14 step %scan3A_15  : i32 {
      %mul3A_29 = arith.constant 2 : i32
      %mul3A_30 = arith.muli %mul3A_29, %scan3A_28 : i32
      %add3A_31 = arith.constant 1 : i32
      %add3A_32 = arith.addi %mul3A_30, %add3A_31 : i32
      %dma_start3A_33 = arith.constant 0 : i32
      %dma_start3A_34 = tpu.memref_slice %arg6[%add3A_32, %dma_start3A_33] : memref<157x128xi32, #tpu.memory_space<vmem>> -> memref<1x64xi32, #tpu.memory_space<vmem>>
      %dma_start3A_35 = tpu.memref_squeeze %dma_start3A_34 : memref<1x64xi32, #tpu.memory_space<vmem>> -> memref<64xi32, #tpu.memory_space<vmem>>
      %dma_start3A_36 = arith.constant 0 : i32
      %dma_start3A_37 = arith.constant 0 : i32
      %dma_start3A_38 = tpu.memref_slice %arg2[%dma_start3A_36, %dma_start3A_37] : memref<10000x128xf32, #tpu.memory_space<hbm>> -> memref<10000x128xf32, #tpu.memory_space<hbm>>
      tpu.enqueue_indirect_dma source(%dma_start3A_38 : memref<10000x128xf32, #tpu.memory_space<hbm>>) target(%arg8 : memref<64x128xf32, #tpu.memory_space<vmem>>) offsets(%dma_start3A_35 : memref<64xi32, #tpu.memory_space<vmem>>) semaphore(%arg11 : memref<!tpu.dma_semaphore, #tpu.memory_space<semaphore_mem>>)
      %dma_wait3A_39 = arith.constant 0 : i32
      %dma_wait3A_40 = tpu.memref_slice %arg6[%scan3A_11, %dma_wait3A_39] : memref<157x128xi32, #tpu.memory_space<vmem>> -> memref<1x64xi32, #tpu.memory_space<vmem>>
      %dma_wait3A_41 = tpu.memref_squeeze %dma_wait3A_40 : memref<1x64xi32, #tpu.memory_space<vmem>> -> memref<64xi32, #tpu.memory_space<vmem>>
      %dma_wait3A_42 = arith.constant 0 : i32
      %dma_wait3A_43 = arith.constant 0 : i32
      %dma_wait3A_44 = tpu.memref_slice %arg2[%dma_wait3A_42, %dma_wait3A_43] : memref<10000x128xf32, #tpu.memory_space<hbm>> -> memref<10000x128xf32, #tpu.memory_space<hbm>>
      tpu.wait_indirect_dma semaphore(%arg10 : memref<!tpu.dma_semaphore, #tpu.memory_space<semaphore_mem>>) src(%dma_wait3A_44 : memref<10000x128xf32, #tpu.memory_space<hbm>>) dst(%arg7 : memref<64x128xf32, #tpu.memory_space<vmem>>)
      "tpu.region"() ({
        %run_scoped3A_61 = tpu.sem_alloc : memref<!tpu.dma_semaphore, #tpu.memory_space<semaphore_mem>>
        %dma_start3A_62 = arith.constant 64 : i32
        %dma_start3A_63 = tpu.memref_slice %arg6[%mul3A_30, %dma_start3A_62] : memref<157x128xi32, #tpu.memory_space<vmem>> -> memref<1x64xi32, #tpu.memory_space<vmem>>
        %dma_start3A_64 = tpu.memref_squeeze %dma_start3A_63 : memref<1x64xi32, #tpu.memory_space<vmem>> -> memref<64xi32, #tpu.memory_space<vmem>>
        %dma_start3A_65 = arith.constant 0 : i32
        %dma_start3A_66 = arith.constant 0 : i32
        %dma_start3A_67 = tpu.memref_slice %arg9[%dma_start3A_65, %dma_start3A_66] : memref<10240x128xf32, #tpu.memory_space<vmem_shared>> -> memref<10240x128xf32, #tpu.memory_space<vmem_shared>>
        tpu.enqueue_indirect_dma source(%arg7 : memref<64x128xf32, #tpu.memory_space<vmem>>) target(%dma_start3A_67 : memref<10240x128xf32, #tpu.memory_space<vmem_shared>>) offsets(%dma_start3A_64 : memref<64xi32, #tpu.memory_space<vmem>>) semaphore(%run_scoped3A_61 : memref<!tpu.dma_semaphore, #tpu.memory_space<semaphore_mem>>) {add = true}
        %dma_wait3A_68 = arith.constant 64 : i32
        %dma_wait3A_69 = tpu.memref_slice %arg6[%mul3A_30, %dma_wait3A_68] : memref<157x128xi32, #tpu.memory_space<vmem>> -> memref<1x64xi32, #tpu.memory_space<vmem>>
        %dma_wait3A_70 = tpu.memref_squeeze %dma_wait3A_69 : memref<1x64xi32, #tpu.memory_space<vmem>> -> memref<64xi32, #tpu.memory_space<vmem>>
        %dma_wait3A_71 = arith.constant 0 : i32
        %dma_wait3A_72 = arith.constant 0 : i32
        %dma_wait3A_73 = tpu.memref_slice %arg9[%dma_wait3A_71, %dma_wait3A_72] : memref<10240x128xf32, #tpu.memory_space<vmem_shared>> -> memref<10240x128xf32, #tpu.memory_space<vmem_shared>>
        tpu.wait_indirect_dma semaphore(%run_scoped3A_61 : memref<!tpu.dma_semaphore, #tpu.memory_space<semaphore_mem>>) src(%arg7 : memref<64x128xf32, #tpu.memory_space<vmem>>) dst(%dma_wait3A_73 : memref<10240x128xf32, #tpu.memory_space<vmem_shared>>)
        tpu.yield
      }) : () -> ()
      %add3A_45 = arith.constant 2 : i32
      %add3A_46 = arith.addi %mul3A_30, %add3A_45 : i32
      %dma_start3A_47 = arith.constant 0 : i32
      %dma_start3A_48 = tpu.memref_slice %arg6[%add3A_46, %dma_start3A_47] : memref<157x128xi32, #tpu.memory_space<vmem>> -> memref<1x64xi32, #tpu.memory_space<vmem>>
      %dma_start3A_49 = tpu.memref_squeeze %dma_start3A_48 : memref<1x64xi32, #tpu.memory_space<vmem>> -> memref<64xi32, #tpu.memory_space<vmem>>
      %dma_start3A_50 = arith.constant 0 : i32
      %dma_start3A_51 = arith.constant 0 : i32
      %dma_start3A_52 = tpu.memref_slice %arg2[%dma_start3A_50, %dma_start3A_51] : memref<10000x128xf32, #tpu.memory_space<hbm>> -> memref<10000x128xf32, #tpu.memory_space<hbm>>
      tpu.enqueue_indirect_dma source(%dma_start3A_52 : memref<10000x128xf32, #tpu.memory_space<hbm>>) target(%arg7 : memref<64x128xf32, #tpu.memory_space<vmem>>) offsets(%dma_start3A_49 : memref<64xi32, #tpu.memory_space<vmem>>) semaphore(%arg10 : memref<!tpu.dma_semaphore, #tpu.memory_space<semaphore_mem>>)
      %dma_wait3A_53 = arith.constant 0 : i32
      %dma_wait3A_54 = tpu.memref_slice %arg6[%add3A_32, %dma_wait3A_53] : memref<157x128xi32, #tpu.memory_space<vmem>> -> memref<1x64xi32, #tpu.memory_space<vmem>>
      %dma_wait3A_55 = tpu.memref_squeeze %dma_wait3A_54 : memref<1x64xi32, #tpu.memory_space<vmem>> -> memref<64xi32, #tpu.memory_space<vmem>>
      %dma_wait3A_56 = arith.constant 0 : i32
      %dma_wait3A_57 = arith.constant 0 : i32
      %dma_wait3A_58 = tpu.memref_slice %arg2[%dma_wait3A_56, %dma_wait3A_57] : memref<10000x128xf32, #tpu.memory_space<hbm>> -> memref<10000x128xf32, #tpu.memory_space<hbm>>
      tpu.wait_indirect_dma semaphore(%arg11 : memref<!tpu.dma_semaphore, #tpu.memory_space<semaphore_mem>>) src(%dma_wait3A_58 : memref<10000x128xf32, #tpu.memory_space<hbm>>) dst(%arg8 : memref<64x128xf32, #tpu.memory_space<vmem>>)
      %add3A_59 = arith.constant 1 : i32
      %add3A_60 = arith.addi %mul3A_30, %add3A_59 : i32
      "tpu.region"() ({
        %run_scoped3A_61 = tpu.sem_alloc : memref<!tpu.dma_semaphore, #tpu.memory_space<semaphore_mem>>
        %dma_start3A_62 = arith.constant 64 : i32
        %dma_start3A_63 = tpu.memref_slice %arg6[%add3A_60, %dma_start3A_62] : memref<157x128xi32, #tpu.memory_space<vmem>> -> memref<1x64xi32, #tpu.memory_space<vmem>>
        %dma_start3A_64 = tpu.memref_squeeze %dma_start3A_63 : memref<1x64xi32, #tpu.memory_space<vmem>> -> memref<64xi32, #tpu.memory_space<vmem>>
        %dma_start3A_65 = arith.constant 0 : i32
        %dma_start3A_66 = arith.constant 0 : i32
        %dma_start3A_67 = tpu.memref_slice %arg9[%dma_start3A_65, %dma_start3A_66] : memref<10240x128xf32, #tpu.memory_space<vmem_shared>> -> memref<10240x128xf32, #tpu.memory_space<vmem_shared>>
        tpu.enqueue_indirect_dma source(%arg8 : memref<64x128xf32, #tpu.memory_space<vmem>>) target(%dma_start3A_67 : memref<10240x128xf32, #tpu.memory_space<vmem_shared>>) offsets(%dma_start3A_64 : memref<64xi32, #tpu.memory_space<vmem>>) semaphore(%run_scoped3A_61 : memref<!tpu.dma_semaphore, #tpu.memory_space<semaphore_mem>>) {add = true}
        %dma_wait3A_68 = arith.constant 64 : i32
        %dma_wait3A_69 = tpu.memref_slice %arg6[%add3A_60, %dma_wait3A_68] : memref<157x128xi32, #tpu.memory_space<vmem>> -> memref<1x64xi32, #tpu.memory_space<vmem>>
        %dma_wait3A_70 = tpu.memref_squeeze %dma_wait3A_69 : memref<1x64xi32, #tpu.memory_space<vmem>> -> memref<64xi32, #tpu.memory_space<vmem>>
        %dma_wait3A_71 = arith.constant 0 : i32
        %dma_wait3A_72 = arith.constant 0 : i32
        %dma_wait3A_73 = tpu.memref_slice %arg9[%dma_wait3A_71, %dma_wait3A_72] : memref<10240x128xf32, #tpu.memory_space<vmem_shared>> -> memref<10240x128xf32, #tpu.memory_space<vmem_shared>>
        tpu.wait_indirect_dma semaphore(%run_scoped3A_61 : memref<!tpu.dma_semaphore, #tpu.memory_space<semaphore_mem>>) src(%arg8 : memref<64x128xf32, #tpu.memory_space<vmem>>) dst(%dma_wait3A_73 : memref<10240x128xf32, #tpu.memory_space<vmem_shared>>)
        tpu.yield
      }) : () -> ()
    }
    %scan3A_16 = arith.constant 78 : i32
    %dma_wait3A = arith.constant 0 : i32
    %dma_wait3A_17 = arith.constant 0 : i32
    %dma_wait3A_18 = tpu.memref_slice %arg6[%dma_wait3A, %dma_wait3A_17] : memref<157x128xi32, #tpu.memory_space<vmem>> -> memref<1x64xi32, #tpu.memory_space<vmem>>
    %dma_wait3A_19 = tpu.memref_squeeze %dma_wait3A_18 : memref<1x64xi32, #tpu.memory_space<vmem>> -> memref<64xi32, #tpu.memory_space<vmem>>
    %dma_wait3A_20 = arith.constant 0 : i32
    %dma_wait3A_21 = arith.constant 0 : i32
    %dma_wait3A_22 = tpu.memref_slice %arg2[%dma_wait3A_20, %dma_wait3A_21] : memref<10000x128xf32, #tpu.memory_space<hbm>> -> memref<10000x128xf32, #tpu.memory_space<hbm>>
    tpu.wait_indirect_dma semaphore(%arg10 : memref<!tpu.dma_semaphore, #tpu.memory_space<semaphore_mem>>) src(%dma_wait3A_22 : memref<10000x128xf32, #tpu.memory_space<hbm>>) dst(%arg7 : memref<64x128xf32, #tpu.memory_space<vmem>>)
    %run_scoped3A = arith.constant 156 : i32
    "tpu.region"() ({
      %run_scoped3A_28 = tpu.sem_alloc : memref<!tpu.dma_semaphore, #tpu.memory_space<semaphore_mem>>
      %dma_start3A_29 = arith.constant 64 : i32
      %dma_start3A_30 = tpu.memref_slice %arg6[%run_scoped3A, %dma_start3A_29] : memref<157x128xi32, #tpu.memory_space<vmem>> -> memref<1x64xi32, #tpu.memory_space<vmem>>
      %dma_start3A_31 = tpu.memref_squeeze %dma_start3A_30 : memref<1x64xi32, #tpu.memory_space<vmem>> -> memref<64xi32, #tpu.memory_space<vmem>>
      %dma_start3A_32 = arith.constant 0 : i32
      %dma_start3A_33 = arith.constant 0 : i32
      %dma_start3A_34 = tpu.memref_slice %arg9[%dma_start3A_32, %dma_start3A_33] : memref<10240x128xf32, #tpu.memory_space<vmem_shared>> -> memref<10240x128xf32, #tpu.memory_space<vmem_shared>>
      tpu.enqueue_indirect_dma source(%arg7 : memref<64x128xf32, #tpu.memory_space<vmem>>) target(%dma_start3A_34 : memref<10240x128xf32, #tpu.memory_space<vmem_shared>>) offsets(%dma_start3A_31 : memref<64xi32, #tpu.memory_space<vmem>>) semaphore(%run_scoped3A_28 : memref<!tpu.dma_semaphore, #tpu.memory_space<semaphore_mem>>) {add = true}
      %dma_wait3A_35 = arith.constant 64 : i32
      %dma_wait3A_36 = tpu.memref_slice %arg6[%run_scoped3A, %dma_wait3A_35] : memref<157x128xi32, #tpu.memory_space<vmem>> -> memref<1x64xi32, #tpu.memory_space<vmem>>
      %dma_wait3A_37 = tpu.memref_squeeze %dma_wait3A_36 : memref<1x64xi32, #tpu.memory_space<vmem>> -> memref<64xi32, #tpu.memory_space<vmem>>
      %dma_wait3A_38 = arith.constant 0 : i32
      %dma_wait3A_39 = arith.constant 0 : i32
      %dma_wait3A_40 = tpu.memref_slice %arg9[%dma_wait3A_38, %dma_wait3A_39] : memref<10240x128xf32, #tpu.memory_space<vmem_shared>> -> memref<10240x128xf32, #tpu.memory_space<vmem_shared>>
      tpu.wait_indirect_dma semaphore(%run_scoped3A_28 : memref<!tpu.dma_semaphore, #tpu.memory_space<semaphore_mem>>) src(%arg7 : memref<64x128xf32, #tpu.memory_space<vmem>>) dst(%dma_wait3A_40 : memref<10240x128xf32, #tpu.memory_space<vmem_shared>>)
      tpu.yield
    }) : () -> ()
    %barrier3A_23 = arith.constant 0 : index
    tpu.barrier barrier_id(%barrier3A_23)
    %mul3A_24 = arith.constant 640 : i32
    %mul3A_25 = arith.muli %arg1, %mul3A_24 : i32
    %mul3A_26 = arith.constant 640 : i32
    %mul3A_27 = arith.muli %arg1, %mul3A_26 : i32
    "tpu.region"() ({
      %run_scoped3A_28 = tpu.sem_alloc : memref<!tpu.dma_semaphore, #tpu.memory_space<semaphore_mem>>
      %dma_start3A_29 = arith.constant 0 : i32
      %dma_start3A_30 = tpu.memref_slice %arg5[%arg0, %mul3A_27, %dma_start3A_29] : memref<2x10240x128xf32, #tpu.memory_space<hbm>> -> memref<1x640x128xf32, #tpu.memory_space<hbm>>
      %dma_start3A_31 = tpu.memref_squeeze %dma_start3A_30 : memref<1x640x128xf32, #tpu.memory_space<hbm>> -> memref<640x128xf32, #tpu.memory_space<hbm>>
      %dma_start3A_32 = arith.constant 0 : i32
      %dma_start3A_33 = tpu.memref_slice %arg9[%mul3A_25, %dma_start3A_32] : memref<10240x128xf32, #tpu.memory_space<vmem_shared>> -> memref<640x128xf32, #tpu.memory_space<vmem_shared>>
      tpu.enqueue_dma source(%dma_start3A_33 : memref<640x128xf32, #tpu.memory_space<vmem_shared>>) target(%dma_start3A_31 : memref<640x128xf32, #tpu.memory_space<hbm>>) target_semaphore(%run_scoped3A_28 : memref<!tpu.dma_semaphore, #tpu.memory_space<semaphore_mem>>)
      %dma_wait3A_34 = arith.constant 0 : i32
      %dma_wait3A_35 = tpu.memref_slice %arg5[%arg0, %mul3A_27, %dma_wait3A_34] : memref<2x10240x128xf32, #tpu.memory_space<hbm>> -> memref<1x640x128xf32, #tpu.memory_space<hbm>>
      %dma_wait3A_36 = tpu.memref_squeeze %dma_wait3A_35 : memref<1x640x128xf32, #tpu.memory_space<hbm>> -> memref<640x128xf32, #tpu.memory_space<hbm>>
      %dma_wait3A_37 = arith.constant 0 : i32
      %dma_wait3A_38 = tpu.memref_slice %arg9[%mul3A_25, %dma_wait3A_37] : memref<10240x128xf32, #tpu.memory_space<vmem_shared>> -> memref<640x128xf32, #tpu.memory_space<vmem_shared>>
      tpu.wait_dma2 semaphore(%run_scoped3A_28 : memref<!tpu.dma_semaphore, #tpu.memory_space<semaphore_mem>>) src(%dma_wait3A_38 : memref<640x128xf32, #tpu.memory_space<vmem_shared>>) dst(%dma_wait3A_36 : memref<640x128xf32, #tpu.memory_space<hbm>>)
      tpu.yield
    }) : () -> ()
    return
  }
}

#map = affine_map<(d0, d1) -> (0, 0)>
#map1 = affine_map<(d0, d1) -> (0, 0, 0)>
module attributes {stable_mosaic.version = 14 : i64} {
  func.func @_agg_body(%arg0: i32, %arg1: i32, %arg2: memref<10000x128xf32, #tpu.memory_space<hbm>>, %arg3: memref<32x157x128xi32, #tpu.memory_space<hbm>>, %arg4: memref<10240x128xf32, #tpu.memory_space<hbm>>, %arg5: memref<2x10240x128xf32, #tpu.memory_space<hbm>>, %arg6: memref<157x128xi32, #tpu.memory_space<vmem>>, %arg7: memref<64x128xf32, #tpu.memory_space<vmem>>, %arg8: memref<64x128xf32, #tpu.memory_space<vmem>>, %arg9: memref<10240x128xf32, #tpu.memory_space<vmem_shared>>, %arg10: memref<!tpu.dma_semaphore, #tpu.memory_space<semaphore_mem>>, %arg11: memref<!tpu.dma_semaphore, #tpu.memory_space<semaphore_mem>>) attributes {dimension_semantics = [#tpu.dimension_semantics<core_parallel>, #tpu.dimension_semantics<subcore_parallel>], iteration_bounds = array<i64: 2, 16>, scalar_prefetch = 0 : i64, scratch_operands = 6 : i64, tpu.core_type = #tpu.core_type<sc_vector_subcore>, window_params = [{transform_indices = #map}, {transform_indices = #map1}, {transform_indices = #map}, {transform_indices = #map1}]} {
    %mul3A = arith.constant 2 : i32
    %mul3A_0 = arith.muli %arg1, %mul3A : i32
    %add3A = arith.addi %mul3A_0, %arg0 : i32
    "tpu.region"() ({
      %run_scoped3A_28 = tpu.sem_alloc : memref<!tpu.dma_semaphore, #tpu.memory_space<semaphore_mem>>
      %dma_start3A_29 = arith.constant 0 : i32
      %dma_start3A_30 = arith.constant 0 : i32
      %dma_start3A_31 = tpu.memref_slice %arg3[%add3A, %dma_start3A_29, %dma_start3A_30] : memref<32x157x128xi32, #tpu.memory_space<hbm>> -> memref<1x157x128xi32, #tpu.memory_space<hbm>>
      %dma_start3A_32 = tpu.memref_squeeze %dma_start3A_31 : memref<1x157x128xi32, #tpu.memory_space<hbm>> -> memref<157x128xi32, #tpu.memory_space<hbm>>
      %dma_start3A_33 = arith.constant 0 : i32
      %dma_start3A_34 = arith.constant 0 : i32
      %dma_start3A_35 = tpu.memref_slice %arg3[%add3A, %dma_start3A_33, %dma_start3A_34] : memref<32x157x128xi32, #tpu.memory_space<hbm>> -> memref<1x157x128xi32, #tpu.memory_space<hbm>>
      %dma_start3A_36 = tpu.memref_squeeze %dma_start3A_35 : memref<1x157x128xi32, #tpu.memory_space<hbm>> -> memref<157x128xi32, #tpu.memory_space<hbm>>
      tpu.enqueue_dma source(%dma_start3A_36 : memref<157x128xi32, #tpu.memory_space<hbm>>) target(%arg6 : memref<157x128xi32, #tpu.memory_space<vmem>>) target_semaphore(%run_scoped3A_28 : memref<!tpu.dma_semaphore, #tpu.memory_space<semaphore_mem>>)
      %dma_wait3A_37 = arith.constant 0 : i32
      %dma_wait3A_38 = arith.constant 0 : i32
      %dma_wait3A_39 = tpu.memref_slice %arg3[%add3A, %dma_wait3A_37, %dma_wait3A_38] : memref<32x157x128xi32, #tpu.memory_space<hbm>> -> memref<1x157x128xi32, #tpu.memory_space<hbm>>
      %dma_wait3A_40 = tpu.memref_squeeze %dma_wait3A_39 : memref<1x157x128xi32, #tpu.memory_space<hbm>> -> memref<157x128xi32, #tpu.memory_space<hbm>>
      %dma_wait3A_41 = arith.constant 0 : i32
      %dma_wait3A_42 = arith.constant 0 : i32
      %dma_wait3A_43 = tpu.memref_slice %arg3[%add3A, %dma_wait3A_41, %dma_wait3A_42] : memref<32x157x128xi32, #tpu.memory_space<hbm>> -> memref<1x157x128xi32, #tpu.memory_space<hbm>>
      %dma_wait3A_44 = tpu.memref_squeeze %dma_wait3A_43 : memref<1x157x128xi32, #tpu.memory_space<hbm>> -> memref<157x128xi32, #tpu.memory_space<hbm>>
      tpu.wait_dma2 semaphore(%run_scoped3A_28 : memref<!tpu.dma_semaphore, #tpu.memory_space<semaphore_mem>>) src(%dma_wait3A_44 : memref<157x128xi32, #tpu.memory_space<hbm>>) dst(%arg6 : memref<157x128xi32, #tpu.memory_space<vmem>>)
      tpu.yield
    }) : () -> ()
    %dma_start3A = arith.constant 0 : i32
    %dma_start3A_1 = arith.constant 0 : i32
    %dma_start3A_2 = tpu.memref_slice %arg6[%dma_start3A, %dma_start3A_1] : memref<157x128xi32, #tpu.memory_space<vmem>> -> memref<1x64xi32, #tpu.memory_space<vmem>>
    %dma_start3A_3 = tpu.memref_squeeze %dma_start3A_2 : memref<1x64xi32, #tpu.memory_space<vmem>> -> memref<64xi32, #tpu.memory_space<vmem>>
    %dma_start3A_4 = arith.constant 0 : i32
    %dma_start3A_5 = arith.constant 0 : i32
    %dma_start3A_6 = tpu.memref_slice %arg2[%dma_start3A_4, %dma_start3A_5] : memref<10000x128xf32, #tpu.memory_space<hbm>> -> memref<10000x128xf32, #tpu.memory_space<hbm>>
    tpu.enqueue_indirect_dma source(%dma_start3A_6 : memref<10000x128xf32, #tpu.memory_space<hbm>>) target(%arg7 : memref<64x128xf32, #tpu.memory_space<vmem>>) offsets(%dma_start3A_3 : memref<64xi32, #tpu.memory_space<vmem>>) semaphore(%arg10 : memref<!tpu.dma_semaphore, #tpu.memory_space<semaphore_mem>>)
    %mul3A_7 = arith.constant 640 : i32
    %mul3A_8 = arith.muli %arg1, %mul3A_7 : i32
    %mul3A_9 = arith.constant 640 : i32
    %mul3A_10 = arith.muli %arg1, %mul3A_9 : i32
    "tpu.region"() ({
      %run_scoped3A_28 = tpu.sem_alloc : memref<!tpu.dma_semaphore, #tpu.memory_space<semaphore_mem>>
      %dma_start3A_29 = arith.constant 0 : i32
      %dma_start3A_30 = tpu.memref_slice %arg9[%mul3A_10, %dma_start3A_29] : memref<10240x128xf32, #tpu.memory_space<vmem_shared>> -> memref<640x128xf32, #tpu.memory_space<vmem_shared>>
      %dma_start3A_31 = arith.constant 0 : i32
      %dma_start3A_32 = tpu.memref_slice %arg4[%mul3A_8, %dma_start3A_31] : memref<10240x128xf32, #tpu.memory_space<hbm>> -> memref<640x128xf32, #tpu.memory_space<hbm>>
      tpu.enqueue_dma source(%dma_start3A_32 : memref<640x128xf32, #tpu.memory_space<hbm>>) target(%dma_start3A_30 : memref<640x128xf32, #tpu.memory_space<vmem_shared>>) target_semaphore(%run_scoped3A_28 : memref<!tpu.dma_semaphore, #tpu.memory_space<semaphore_mem>>)
      %dma_wait3A_33 = arith.constant 0 : i32
      %dma_wait3A_34 = tpu.memref_slice %arg9[%mul3A_10, %dma_wait3A_33] : memref<10240x128xf32, #tpu.memory_space<vmem_shared>> -> memref<640x128xf32, #tpu.memory_space<vmem_shared>>
      %dma_wait3A_35 = arith.constant 0 : i32
      %dma_wait3A_36 = tpu.memref_slice %arg4[%mul3A_8, %dma_wait3A_35] : memref<10240x128xf32, #tpu.memory_space<hbm>> -> memref<640x128xf32, #tpu.memory_space<hbm>>
      tpu.wait_dma2 semaphore(%run_scoped3A_28 : memref<!tpu.dma_semaphore, #tpu.memory_space<semaphore_mem>>) src(%dma_wait3A_36 : memref<640x128xf32, #tpu.memory_space<hbm>>) dst(%dma_wait3A_34 : memref<640x128xf32, #tpu.memory_space<vmem_shared>>)
      tpu.yield
    }) : () -> ()
    %barrier3A = arith.constant 0 : index
    tpu.barrier barrier_id(%barrier3A)
    %scan3A = arith.constant 0 : i32
    %scan3A_11 = arith.constant 0 : i32
    %scan3A_12 = arith.constant 0 : i32
    %scan3A_13 = arith.constant 78 : i32
    %scan3A_14 = arith.addi %scan3A_12, %scan3A_13 : i32
    %scan3A_15 = arith.constant 1 : i32
    scf.for %scan3A_28 = %scan3A_12 to %scan3A_14 step %scan3A_15  : i32 {
      %mul3A_29 = arith.constant 2 : i32
      %mul3A_30 = arith.muli %mul3A_29, %scan3A_28 : i32
      %add3A_31 = arith.constant 1 : i32
      %add3A_32 = arith.addi %mul3A_30, %add3A_31 : i32
      %dma_start3A_33 = arith.constant 0 : i32
      %dma_start3A_34 = tpu.memref_slice %arg6[%add3A_32, %dma_start3A_33] : memref<157x128xi32, #tpu.memory_space<vmem>> -> memref<1x64xi32, #tpu.memory_space<vmem>>
      %dma_start3A_35 = tpu.memref_squeeze %dma_start3A_34 : memref<1x64xi32, #tpu.memory_space<vmem>> -> memref<64xi32, #tpu.memory_space<vmem>>
      %dma_start3A_36 = arith.constant 0 : i32
      %dma_start3A_37 = arith.constant 0 : i32
      %dma_start3A_38 = tpu.memref_slice %arg2[%dma_start3A_36, %dma_start3A_37] : memref<10000x128xf32, #tpu.memory_space<hbm>> -> memref<10000x128xf32, #tpu.memory_space<hbm>>
      tpu.enqueue_indirect_dma source(%dma_start3A_38 : memref<10000x128xf32, #tpu.memory_space<hbm>>) target(%arg8 : memref<64x128xf32, #tpu.memory_space<vmem>>) offsets(%dma_start3A_35 : memref<64xi32, #tpu.memory_space<vmem>>) semaphore(%arg11 : memref<!tpu.dma_semaphore, #tpu.memory_space<semaphore_mem>>)
      %dma_wait3A_39 = arith.constant 0 : i32
      %dma_wait3A_40 = tpu.memref_slice %arg6[%scan3A_11, %dma_wait3A_39] : memref<157x128xi32, #tpu.memory_space<vmem>> -> memref<1x64xi32, #tpu.memory_space<vmem>>
      %dma_wait3A_41 = tpu.memref_squeeze %dma_wait3A_40 : memref<1x64xi32, #tpu.memory_space<vmem>> -> memref<64xi32, #tpu.memory_space<vmem>>
      %dma_wait3A_42 = arith.constant 0 : i32
      %dma_wait3A_43 = arith.constant 0 : i32
      %dma_wait3A_44 = tpu.memref_slice %arg2[%dma_wait3A_42, %dma_wait3A_43] : memref<10000x128xf32, #tpu.memory_space<hbm>> -> memref<10000x128xf32, #tpu.memory_space<hbm>>
      tpu.wait_indirect_dma semaphore(%arg10 : memref<!tpu.dma_semaphore, #tpu.memory_space<semaphore_mem>>) src(%dma_wait3A_44 : memref<10000x128xf32, #tpu.memory_space<hbm>>) dst(%arg7 : memref<64x128xf32, #tpu.memory_space<vmem>>)
      "tpu.region"() ({
        %run_scoped3A_61 = tpu.sem_alloc : memref<!tpu.dma_semaphore, #tpu.memory_space<semaphore_mem>>
        %dma_start3A_62 = arith.constant 64 : i32
        %dma_start3A_63 = tpu.memref_slice %arg6[%mul3A_30, %dma_start3A_62] : memref<157x128xi32, #tpu.memory_space<vmem>> -> memref<1x64xi32, #tpu.memory_space<vmem>>
        %dma_start3A_64 = tpu.memref_squeeze %dma_start3A_63 : memref<1x64xi32, #tpu.memory_space<vmem>> -> memref<64xi32, #tpu.memory_space<vmem>>
        %dma_start3A_65 = arith.constant 0 : i32
        %dma_start3A_66 = arith.constant 0 : i32
        %dma_start3A_67 = tpu.memref_slice %arg9[%dma_start3A_65, %dma_start3A_66] : memref<10240x128xf32, #tpu.memory_space<vmem_shared>> -> memref<10240x128xf32, #tpu.memory_space<vmem_shared>>
        tpu.enqueue_indirect_dma source(%arg7 : memref<64x128xf32, #tpu.memory_space<vmem>>) target(%dma_start3A_67 : memref<10240x128xf32, #tpu.memory_space<vmem_shared>>) offsets(%dma_start3A_64 : memref<64xi32, #tpu.memory_space<vmem>>) semaphore(%run_scoped3A_61 : memref<!tpu.dma_semaphore, #tpu.memory_space<semaphore_mem>>) {add = true}
        %dma_wait3A_68 = arith.constant 64 : i32
        %dma_wait3A_69 = tpu.memref_slice %arg6[%mul3A_30, %dma_wait3A_68] : memref<157x128xi32, #tpu.memory_space<vmem>> -> memref<1x64xi32, #tpu.memory_space<vmem>>
        %dma_wait3A_70 = tpu.memref_squeeze %dma_wait3A_69 : memref<1x64xi32, #tpu.memory_space<vmem>> -> memref<64xi32, #tpu.memory_space<vmem>>
        %dma_wait3A_71 = arith.constant 0 : i32
        %dma_wait3A_72 = arith.constant 0 : i32
        %dma_wait3A_73 = tpu.memref_slice %arg9[%dma_wait3A_71, %dma_wait3A_72] : memref<10240x128xf32, #tpu.memory_space<vmem_shared>> -> memref<10240x128xf32, #tpu.memory_space<vmem_shared>>
        tpu.wait_indirect_dma semaphore(%run_scoped3A_61 : memref<!tpu.dma_semaphore, #tpu.memory_space<semaphore_mem>>) src(%arg7 : memref<64x128xf32, #tpu.memory_space<vmem>>) dst(%dma_wait3A_73 : memref<10240x128xf32, #tpu.memory_space<vmem_shared>>)
        tpu.yield
      }) : () -> ()
      %add3A_45 = arith.constant 2 : i32
      %add3A_46 = arith.addi %mul3A_30, %add3A_45 : i32
      %dma_start3A_47 = arith.constant 0 : i32
      %dma_start3A_48 = tpu.memref_slice %arg6[%add3A_46, %dma_start3A_47] : memref<157x128xi32, #tpu.memory_space<vmem>> -> memref<1x64xi32, #tpu.memory_space<vmem>>
      %dma_start3A_49 = tpu.memref_squeeze %dma_start3A_48 : memref<1x64xi32, #tpu.memory_space<vmem>> -> memref<64xi32, #tpu.memory_space<vmem>>
      %dma_start3A_50 = arith.constant 0 : i32
      %dma_start3A_51 = arith.constant 0 : i32
      %dma_start3A_52 = tpu.memref_slice %arg2[%dma_start3A_50, %dma_start3A_51] : memref<10000x128xf32, #tpu.memory_space<hbm>> -> memref<10000x128xf32, #tpu.memory_space<hbm>>
      tpu.enqueue_indirect_dma source(%dma_start3A_52 : memref<10000x128xf32, #tpu.memory_space<hbm>>) target(%arg7 : memref<64x128xf32, #tpu.memory_space<vmem>>) offsets(%dma_start3A_49 : memref<64xi32, #tpu.memory_space<vmem>>) semaphore(%arg10 : memref<!tpu.dma_semaphore, #tpu.memory_space<semaphore_mem>>)
      %dma_wait3A_53 = arith.constant 0 : i32
      %dma_wait3A_54 = tpu.memref_slice %arg6[%add3A_32, %dma_wait3A_53] : memref<157x128xi32, #tpu.memory_space<vmem>> -> memref<1x64xi32, #tpu.memory_space<vmem>>
      %dma_wait3A_55 = tpu.memref_squeeze %dma_wait3A_54 : memref<1x64xi32, #tpu.memory_space<vmem>> -> memref<64xi32, #tpu.memory_space<vmem>>
      %dma_wait3A_56 = arith.constant 0 : i32
      %dma_wait3A_57 = arith.constant 0 : i32
      %dma_wait3A_58 = tpu.memref_slice %arg2[%dma_wait3A_56, %dma_wait3A_57] : memref<10000x128xf32, #tpu.memory_space<hbm>> -> memref<10000x128xf32, #tpu.memory_space<hbm>>
      tpu.wait_indirect_dma semaphore(%arg11 : memref<!tpu.dma_semaphore, #tpu.memory_space<semaphore_mem>>) src(%dma_wait3A_58 : memref<10000x128xf32, #tpu.memory_space<hbm>>) dst(%arg8 : memref<64x128xf32, #tpu.memory_space<vmem>>)
      %add3A_59 = arith.constant 1 : i32
      %add3A_60 = arith.addi %mul3A_30, %add3A_59 : i32
      "tpu.region"() ({
        %run_scoped3A_61 = tpu.sem_alloc : memref<!tpu.dma_semaphore, #tpu.memory_space<semaphore_mem>>
        %dma_start3A_62 = arith.constant 64 : i32
        %dma_start3A_63 = tpu.memref_slice %arg6[%add3A_60, %dma_start3A_62] : memref<157x128xi32, #tpu.memory_space<vmem>> -> memref<1x64xi32, #tpu.memory_space<vmem>>
        %dma_start3A_64 = tpu.memref_squeeze %dma_start3A_63 : memref<1x64xi32, #tpu.memory_space<vmem>> -> memref<64xi32, #tpu.memory_space<vmem>>
        %dma_start3A_65 = arith.constant 0 : i32
        %dma_start3A_66 = arith.constant 0 : i32
        %dma_start3A_67 = tpu.memref_slice %arg9[%dma_start3A_65, %dma_start3A_66] : memref<10240x128xf32, #tpu.memory_space<vmem_shared>> -> memref<10240x128xf32, #tpu.memory_space<vmem_shared>>
        tpu.enqueue_indirect_dma source(%arg8 : memref<64x128xf32, #tpu.memory_space<vmem>>) target(%dma_start3A_67 : memref<10240x128xf32, #tpu.memory_space<vmem_shared>>) offsets(%dma_start3A_64 : memref<64xi32, #tpu.memory_space<vmem>>) semaphore(%run_scoped3A_61 : memref<!tpu.dma_semaphore, #tpu.memory_space<semaphore_mem>>) {add = true}
        %dma_wait3A_68 = arith.constant 64 : i32
        %dma_wait3A_69 = tpu.memref_slice %arg6[%add3A_60, %dma_wait3A_68] : memref<157x128xi32, #tpu.memory_space<vmem>> -> memref<1x64xi32, #tpu.memory_space<vmem>>
        %dma_wait3A_70 = tpu.memref_squeeze %dma_wait3A_69 : memref<1x64xi32, #tpu.memory_space<vmem>> -> memref<64xi32, #tpu.memory_space<vmem>>
        %dma_wait3A_71 = arith.constant 0 : i32
        %dma_wait3A_72 = arith.constant 0 : i32
        %dma_wait3A_73 = tpu.memref_slice %arg9[%dma_wait3A_71, %dma_wait3A_72] : memref<10240x128xf32, #tpu.memory_space<vmem_shared>> -> memref<10240x128xf32, #tpu.memory_space<vmem_shared>>
        tpu.wait_indirect_dma semaphore(%run_scoped3A_61 : memref<!tpu.dma_semaphore, #tpu.memory_space<semaphore_mem>>) src(%arg8 : memref<64x128xf32, #tpu.memory_space<vmem>>) dst(%dma_wait3A_73 : memref<10240x128xf32, #tpu.memory_space<vmem_shared>>)
        tpu.yield
      }) : () -> ()
    }
    %scan3A_16 = arith.constant 78 : i32
    %dma_wait3A = arith.constant 0 : i32
    %dma_wait3A_17 = arith.constant 0 : i32
    %dma_wait3A_18 = tpu.memref_slice %arg6[%dma_wait3A, %dma_wait3A_17] : memref<157x128xi32, #tpu.memory_space<vmem>> -> memref<1x64xi32, #tpu.memory_space<vmem>>
    %dma_wait3A_19 = tpu.memref_squeeze %dma_wait3A_18 : memref<1x64xi32, #tpu.memory_space<vmem>> -> memref<64xi32, #tpu.memory_space<vmem>>
    %dma_wait3A_20 = arith.constant 0 : i32
    %dma_wait3A_21 = arith.constant 0 : i32
    %dma_wait3A_22 = tpu.memref_slice %arg2[%dma_wait3A_20, %dma_wait3A_21] : memref<10000x128xf32, #tpu.memory_space<hbm>> -> memref<10000x128xf32, #tpu.memory_space<hbm>>
    tpu.wait_indirect_dma semaphore(%arg10 : memref<!tpu.dma_semaphore, #tpu.memory_space<semaphore_mem>>) src(%dma_wait3A_22 : memref<10000x128xf32, #tpu.memory_space<hbm>>) dst(%arg7 : memref<64x128xf32, #tpu.memory_space<vmem>>)
    %run_scoped3A = arith.constant 156 : i32
    "tpu.region"() ({
      %run_scoped3A_28 = tpu.sem_alloc : memref<!tpu.dma_semaphore, #tpu.memory_space<semaphore_mem>>
      %dma_start3A_29 = arith.constant 64 : i32
      %dma_start3A_30 = tpu.memref_slice %arg6[%run_scoped3A, %dma_start3A_29] : memref<157x128xi32, #tpu.memory_space<vmem>> -> memref<1x64xi32, #tpu.memory_space<vmem>>
      %dma_start3A_31 = tpu.memref_squeeze %dma_start3A_30 : memref<1x64xi32, #tpu.memory_space<vmem>> -> memref<64xi32, #tpu.memory_space<vmem>>
      %dma_start3A_32 = arith.constant 0 : i32
      %dma_start3A_33 = arith.constant 0 : i32
      %dma_start3A_34 = tpu.memref_slice %arg9[%dma_start3A_32, %dma_start3A_33] : memref<10240x128xf32, #tpu.memory_space<vmem_shared>> -> memref<10240x128xf32, #tpu.memory_space<vmem_shared>>
      tpu.enqueue_indirect_dma source(%arg7 : memref<64x128xf32, #tpu.memory_space<vmem>>) target(%dma_start3A_34 : memref<10240x128xf32, #tpu.memory_space<vmem_shared>>) offsets(%dma_start3A_31 : memref<64xi32, #tpu.memory_space<vmem>>) semaphore(%run_scoped3A_28 : memref<!tpu.dma_semaphore, #tpu.memory_space<semaphore_mem>>) {add = true}
      %dma_wait3A_35 = arith.constant 64 : i32
      %dma_wait3A_36 = tpu.memref_slice %arg6[%run_scoped3A, %dma_wait3A_35] : memref<157x128xi32, #tpu.memory_space<vmem>> -> memref<1x64xi32, #tpu.memory_space<vmem>>
      %dma_wait3A_37 = tpu.memref_squeeze %dma_wait3A_36 : memref<1x64xi32, #tpu.memory_space<vmem>> -> memref<64xi32, #tpu.memory_space<vmem>>
      %dma_wait3A_38 = arith.constant 0 : i32
      %dma_wait3A_39 = arith.constant 0 : i32
      %dma_wait3A_40 = tpu.memref_slice %arg9[%dma_wait3A_38, %dma_wait3A_39] : memref<10240x128xf32, #tpu.memory_space<vmem_shared>> -> memref<10240x128xf32, #tpu.memory_space<vmem_shared>>
      tpu.wait_indirect_dma semaphore(%run_scoped3A_28 : memref<!tpu.dma_semaphore, #tpu.memory_space<semaphore_mem>>) src(%arg7 : memref<64x128xf32, #tpu.memory_space<vmem>>) dst(%dma_wait3A_40 : memref<10240x128xf32, #tpu.memory_space<vmem_shared>>)
      tpu.yield
    }) : () -> ()
    %barrier3A_23 = arith.constant 0 : index
    tpu.barrier barrier_id(%barrier3A_23)
    %mul3A_24 = arith.constant 640 : i32
    %mul3A_25 = arith.muli %arg1, %mul3A_24 : i32
    %mul3A_26 = arith.constant 640 : i32
    %mul3A_27 = arith.muli %arg1, %mul3A_26 : i32
    "tpu.region"() ({
      %run_scoped3A_28 = tpu.sem_alloc : memref<!tpu.dma_semaphore, #tpu.memory_space<semaphore_mem>>
      %dma_start3A_29 = arith.constant 0 : i32
      %dma_start3A_30 = tpu.memref_slice %arg5[%arg0, %mul3A_27, %dma_start3A_29] : memref<2x10240x128xf32, #tpu.memory_space<hbm>> -> memref<1x640x128xf32, #tpu.memory_space<hbm>>
      %dma_start3A_31 = tpu.memref_squeeze %dma_start3A_30 : memref<1x640x128xf32, #tpu.memory_space<hbm>> -> memref<640x128xf32, #tpu.memory_space<hbm>>
      %dma_start3A_32 = arith.constant 0 : i32
      %dma_start3A_33 = tpu.memref_slice %arg9[%mul3A_25, %dma_start3A_32] : memref<10240x128xf32, #tpu.memory_space<vmem_shared>> -> memref<640x128xf32, #tpu.memory_space<vmem_shared>>
      tpu.enqueue_dma source(%dma_start3A_33 : memref<640x128xf32, #tpu.memory_space<vmem_shared>>) target(%dma_start3A_31 : memref<640x128xf32, #tpu.memory_space<hbm>>) target_semaphore(%run_scoped3A_28 : memref<!tpu.dma_semaphore, #tpu.memory_space<semaphore_mem>>)
      %dma_wait3A_34 = arith.constant 0 : i32
      %dma_wait3A_35 = tpu.memref_slice %arg5[%arg0, %mul3A_27, %dma_wait3A_34] : memref<2x10240x128xf32, #tpu.memory_space<hbm>> -> memref<1x640x128xf32, #tpu.memory_space<hbm>>
      %dma_wait3A_36 = tpu.memref_squeeze %dma_wait3A_35 : memref<1x640x128xf32, #tpu.memory_space<hbm>> -> memref<640x128xf32, #tpu.memory_space<hbm>>
      %dma_wait3A_37 = arith.constant 0 : i32
      %dma_wait3A_38 = tpu.memref_slice %arg9[%mul3A_25, %dma_wait3A_37] : memref<10240x128xf32, #tpu.memory_space<vmem_shared>> -> memref<640x128xf32, #tpu.memory_space<vmem_shared>>
      tpu.wait_dma2 semaphore(%run_scoped3A_28 : memref<!tpu.dma_semaphore, #tpu.memory_space<semaphore_mem>>) src(%dma_wait3A_38 : memref<640x128xf32, #tpu.memory_space<vmem_shared>>) dst(%dma_wait3A_36 : memref<640x128xf32, #tpu.memory_space<hbm>>)
      tpu.yield
    }) : () -> ()
    return
  }
}

module attributes {stable_mosaic.version = 14 : i64} {
  func.func @_mlp_body(%arg0: memref<10000x128xf32, #tpu.memory_space<vmem>>, %arg1: memref<2x10240x128xf32, #tpu.memory_space<vmem>>, %arg2: memref<128x128xf32, #tpu.memory_space<vmem>>, %arg3: memref<1x128xf32, #tpu.memory_space<vmem>>, %arg4: memref<1x128xf32, #tpu.memory_space<vmem>>, %arg5: memref<1x128xf32, #tpu.memory_space<vmem>>, %arg6: memref<128x128xf32, #tpu.memory_space<vmem>>, %arg7: memref<1x128xf32, #tpu.memory_space<vmem>>, %arg8: memref<1x128xf32, #tpu.memory_space<vmem>>, %arg9: memref<1x128xf32, #tpu.memory_space<vmem>>, %arg10: memref<10000x128xf32, #tpu.memory_space<vmem>>) attributes {dimension_semantics = [], scalar_prefetch = 0 : i64, scratch_operands = 0 : i64, tpu.core_type = #tpu.core_type<tc>} {
    %get3A = arith.constant 0 : index
    %get3A_0 = arith.constant 0 : index
    %get3A_1 = vector.load %arg0[%get3A, %get3A_0] : memref<10000x128xf32, #tpu.memory_space<vmem>>, vector<10000x128xf32>
    %get3A_2 = arith.constant 0 : index
    %get3A_3 = arith.constant 0 : index
    %get3A_4 = arith.constant 0 : index
    %get3A_5 = vector.load %arg1[%get3A_2, %get3A_3, %get3A_4] : memref<2x10240x128xf32, #tpu.memory_space<vmem>>, vector<1x10000x128xf32>
    %get3A_6 = vector.shape_cast %get3A_5 : vector<1x10000x128xf32> to vector<10000x128xf32>
    %add3A = arith.addf %get3A_1, %get3A_6 : vector<10000x128xf32>
    %get3A_7 = arith.constant 1 : index
    %get3A_8 = arith.constant 0 : index
    %get3A_9 = arith.constant 0 : index
    %get3A_10 = vector.load %arg1[%get3A_7, %get3A_8, %get3A_9] : memref<2x10240x128xf32, #tpu.memory_space<vmem>>, vector<1x10000x128xf32>
    %get3A_11 = vector.shape_cast %get3A_10 : vector<1x10000x128xf32> to vector<10000x128xf32>
    %add3A_12 = arith.addf %add3A, %get3A_11 : vector<10000x128xf32>
    %get3A_13 = arith.constant 0 : index
    %get3A_14 = arith.constant 0 : index
    %get3A_15 = vector.load %arg2[%get3A_13, %get3A_14] : memref<128x128xf32, #tpu.memory_space<vmem>>, vector<128x128xf32>
    %dot_general3A = arith.constant dense<0.000000e+00> : vector<10000x128xf32>
    %dot_general3A_16 = tpu.matmul %add3A_12, %get3A_15, %dot_general3A {dimension_numbers = #tpu.dot_dimension_numbers<[1], [0], [0], [1], [0, 0, 1, 1], [], []>, precision = #tpu.contract_precision<fp32>, transpose_lhs_hint = false} : vector<10000x128xf32>, vector<128x128xf32>, vector<10000x128xf32> -> vector<10000x128xf32>
    %get3A_17 = arith.constant 0 : index
    %get3A_18 = arith.constant 0 : index
    %get3A_19 = vector.load %arg3[%get3A_17, %get3A_18] : memref<1x128xf32, #tpu.memory_space<vmem>>, vector<1x128xf32>
    %add3A_20 = vector.broadcast %get3A_19 : vector<1x128xf32> to vector<10000x128xf32>
    %add3A_21 = arith.addf %dot_general3A_16, %add3A_20 : vector<10000x128xf32>
    %get3A_22 = arith.constant 0 : index
    %get3A_23 = arith.constant 0 : index
    %get3A_24 = vector.load %arg4[%get3A_22, %get3A_23] : memref<1x128xf32, #tpu.memory_space<vmem>>, vector<1x128xf32>
    %get3A_25 = arith.constant 0 : index
    %get3A_26 = arith.constant 0 : index
    %get3A_27 = vector.load %arg5[%get3A_25, %get3A_26] : memref<1x128xf32, #tpu.memory_space<vmem>>, vector<1x128xf32>
    %reduce_sum3A = arith.constant dense<0.000000e+00> : vector<128xf32>
    %reduce_sum3A_28 = vector.multi_reduction <add>, %add3A_21, %reduce_sum3A [0] : vector<10000x128xf32> to vector<128xf32>
    %broadcast_in_dim3A = vector.shape_cast %reduce_sum3A_28 : vector<128xf32> to vector<1x128xf32>
    %div3A = arith.constant 1.000000e+04 : f32
    %div3A_29 = vector.broadcast %div3A : f32 to vector<1x128xf32>
    %div3A_30 = arith.divf %broadcast_in_dim3A, %div3A_29 : vector<1x128xf32>
    %mul3A = arith.mulf %add3A_21, %add3A_21 : vector<10000x128xf32>
    %reduce_sum3A_31 = arith.constant dense<0.000000e+00> : vector<128xf32>
    %reduce_sum3A_32 = vector.multi_reduction <add>, %mul3A, %reduce_sum3A_31 [0] : vector<10000x128xf32> to vector<128xf32>
    %broadcast_in_dim3A_33 = vector.shape_cast %reduce_sum3A_32 : vector<128xf32> to vector<1x128xf32>
    %div3A_34 = arith.constant 1.000000e+04 : f32
    %div3A_35 = vector.broadcast %div3A_34 : f32 to vector<1x128xf32>
    %div3A_36 = arith.divf %broadcast_in_dim3A_33, %div3A_35 : vector<1x128xf32>
    %mul3A_37 = arith.mulf %div3A_30, %div3A_30 : vector<1x128xf32>
    %sub3A = arith.subf %div3A_36, %mul3A_37 : vector<1x128xf32>
    %add3A_38 = arith.constant 9.99999974E-6 : f32
    %add3A_39 = vector.broadcast %add3A_38 : f32 to vector<1x128xf32>
    %add3A_40 = arith.addf %sub3A, %add3A_39 : vector<1x128xf32>
    %rsqrt3A = math.rsqrt %add3A_40 : vector<1x128xf32>
    %mul3A_41 = arith.mulf %rsqrt3A, %get3A_24 : vector<1x128xf32>
    %mul3A_42 = vector.broadcast %mul3A_41 : vector<1x128xf32> to vector<10000x128xf32>
    %mul3A_43 = arith.mulf %add3A_21, %mul3A_42 : vector<10000x128xf32>
    %mul3A_44 = arith.mulf %div3A_30, %mul3A_41 : vector<1x128xf32>
    %sub3A_45 = arith.subf %get3A_27, %mul3A_44 : vector<1x128xf32>
    %add3A_46 = vector.broadcast %sub3A_45 : vector<1x128xf32> to vector<10000x128xf32>
    %add3A_47 = arith.addf %mul3A_43, %add3A_46 : vector<10000x128xf32>
    %max3A = arith.constant 0.000000e+00 : f32
    %max3A_48 = vector.broadcast %max3A : f32 to vector<10000x128xf32>
    %max3A_49 = arith.maximumf %add3A_47, %max3A_48 : vector<10000x128xf32>
    %get3A_50 = arith.constant 0 : index
    %get3A_51 = arith.constant 0 : index
    %get3A_52 = vector.load %arg6[%get3A_50, %get3A_51] : memref<128x128xf32, #tpu.memory_space<vmem>>, vector<128x128xf32>
    %dot_general3A_53 = arith.constant dense<0.000000e+00> : vector<10000x128xf32>
    %dot_general3A_54 = tpu.matmul %max3A_49, %get3A_52, %dot_general3A_53 {dimension_numbers = #tpu.dot_dimension_numbers<[1], [0], [0], [1], [0, 0, 1, 1], [], []>, precision = #tpu.contract_precision<fp32>, transpose_lhs_hint = false} : vector<10000x128xf32>, vector<128x128xf32>, vector<10000x128xf32> -> vector<10000x128xf32>
    %get3A_55 = arith.constant 0 : index
    %get3A_56 = arith.constant 0 : index
    %get3A_57 = vector.load %arg7[%get3A_55, %get3A_56] : memref<1x128xf32, #tpu.memory_space<vmem>>, vector<1x128xf32>
    %add3A_58 = vector.broadcast %get3A_57 : vector<1x128xf32> to vector<10000x128xf32>
    %add3A_59 = arith.addf %dot_general3A_54, %add3A_58 : vector<10000x128xf32>
    %get3A_60 = arith.constant 0 : index
    %get3A_61 = arith.constant 0 : index
    %get3A_62 = vector.load %arg8[%get3A_60, %get3A_61] : memref<1x128xf32, #tpu.memory_space<vmem>>, vector<1x128xf32>
    %get3A_63 = arith.constant 0 : index
    %get3A_64 = arith.constant 0 : index
    %get3A_65 = vector.load %arg9[%get3A_63, %get3A_64] : memref<1x128xf32, #tpu.memory_space<vmem>>, vector<1x128xf32>
    %reduce_sum3A_66 = arith.constant dense<0.000000e+00> : vector<128xf32>
    %reduce_sum3A_67 = vector.multi_reduction <add>, %add3A_59, %reduce_sum3A_66 [0] : vector<10000x128xf32> to vector<128xf32>
    %broadcast_in_dim3A_68 = vector.shape_cast %reduce_sum3A_67 : vector<128xf32> to vector<1x128xf32>
    %div3A_69 = arith.constant 1.000000e+04 : f32
    %div3A_70 = vector.broadcast %div3A_69 : f32 to vector<1x128xf32>
    %div3A_71 = arith.divf %broadcast_in_dim3A_68, %div3A_70 : vector<1x128xf32>
    %mul3A_72 = arith.mulf %add3A_59, %add3A_59 : vector<10000x128xf32>
    %reduce_sum3A_73 = arith.constant dense<0.000000e+00> : vector<128xf32>
    %reduce_sum3A_74 = vector.multi_reduction <add>, %mul3A_72, %reduce_sum3A_73 [0] : vector<10000x128xf32> to vector<128xf32>
    %broadcast_in_dim3A_75 = vector.shape_cast %reduce_sum3A_74 : vector<128xf32> to vector<1x128xf32>
    %div3A_76 = arith.constant 1.000000e+04 : f32
    %div3A_77 = vector.broadcast %div3A_76 : f32 to vector<1x128xf32>
    %div3A_78 = arith.divf %broadcast_in_dim3A_75, %div3A_77 : vector<1x128xf32>
    %mul3A_79 = arith.mulf %div3A_71, %div3A_71 : vector<1x128xf32>
    %sub3A_80 = arith.subf %div3A_78, %mul3A_79 : vector<1x128xf32>
    %add3A_81 = arith.constant 9.99999974E-6 : f32
    %add3A_82 = vector.broadcast %add3A_81 : f32 to vector<1x128xf32>
    %add3A_83 = arith.addf %sub3A_80, %add3A_82 : vector<1x128xf32>
    %rsqrt3A_84 = math.rsqrt %add3A_83 : vector<1x128xf32>
    %mul3A_85 = arith.mulf %rsqrt3A_84, %get3A_62 : vector<1x128xf32>
    %mul3A_86 = vector.broadcast %mul3A_85 : vector<1x128xf32> to vector<10000x128xf32>
    %mul3A_87 = arith.mulf %add3A_59, %mul3A_86 : vector<10000x128xf32>
    %mul3A_88 = arith.mulf %div3A_71, %mul3A_85 : vector<1x128xf32>
    %sub3A_89 = arith.subf %get3A_65, %mul3A_88 : vector<1x128xf32>
    %add3A_90 = vector.broadcast %sub3A_89 : vector<1x128xf32> to vector<10000x128xf32>
    %add3A_91 = arith.addf %mul3A_87, %add3A_90 : vector<10000x128xf32>
    %max3A_92 = arith.constant 0.000000e+00 : f32
    %max3A_93 = vector.broadcast %max3A_92 : f32 to vector<10000x128xf32>
    %max3A_94 = arith.maximumf %add3A_91, %max3A_93 : vector<10000x128xf32>
    %swap3A = arith.constant 0 : index
    %swap3A_95 = arith.constant 0 : index
    %swap3A_96 = vector.load %arg10[%swap3A, %swap3A_95] : memref<10000x128xf32, #tpu.memory_space<vmem>>, vector<10000x128xf32>
    tpu.vector_store %arg10[%swap3A, %swap3A_95], %max3A_94 {strides = array<i32>} : memref<10000x128xf32, #tpu.memory_space<vmem>>, vector<10000x128xf32>,
    return
  }
}

module attributes {stable_mosaic.version = 14 : i64} {
  func.func @_mlp_tail_body(%arg0: memref<10000x128xf32, #tpu.memory_space<vmem>>, %arg1: memref<2x10240x128xf32, #tpu.memory_space<vmem>>, %arg2: memref<128x128xf32, #tpu.memory_space<vmem>>, %arg3: memref<1x128xf32, #tpu.memory_space<vmem>>, %arg4: memref<1x128xf32, #tpu.memory_space<vmem>>, %arg5: memref<1x128xf32, #tpu.memory_space<vmem>>, %arg6: memref<128x128xf32, #tpu.memory_space<vmem>>, %arg7: memref<1x128xf32, #tpu.memory_space<vmem>>, %arg8: memref<1x128xf32, #tpu.memory_space<vmem>>, %arg9: memref<1x128xf32, #tpu.memory_space<vmem>>, %arg10: memref<1x10000xi32, #tpu.memory_space<vmem>>, %arg11: memref<128x128xf32, #tpu.memory_space<vmem>>, %arg12: memref<1x128xf32, #tpu.memory_space<vmem>>, %arg13: memref<128x10xf32, #tpu.memory_space<vmem>>, %arg14: memref<1x10xf32, #tpu.memory_space<vmem>>, %arg15: memref<64x10xf32, #tpu.memory_space<vmem>>) attributes {dimension_semantics = [], scalar_prefetch = 0 : i64, scratch_operands = 0 : i64, tpu.core_type = #tpu.core_type<tc>} {
    %get3A = arith.constant 0 : index
    %get3A_0 = arith.constant 0 : index
    %get3A_1 = vector.load %arg0[%get3A, %get3A_0] : memref<10000x128xf32, #tpu.memory_space<vmem>>, vector<10000x128xf32>
    %get3A_2 = arith.constant 0 : index
    %get3A_3 = arith.constant 0 : index
    %get3A_4 = arith.constant 0 : index
    %get3A_5 = vector.load %arg1[%get3A_2, %get3A_3, %get3A_4] : memref<2x10240x128xf32, #tpu.memory_space<vmem>>, vector<1x10000x128xf32>
    %get3A_6 = vector.shape_cast %get3A_5 : vector<1x10000x128xf32> to vector<10000x128xf32>
    %add3A = arith.addf %get3A_1, %get3A_6 : vector<10000x128xf32>
    %get3A_7 = arith.constant 1 : index
    %get3A_8 = arith.constant 0 : index
    %get3A_9 = arith.constant 0 : index
    %get3A_10 = vector.load %arg1[%get3A_7, %get3A_8, %get3A_9] : memref<2x10240x128xf32, #tpu.memory_space<vmem>>, vector<1x10000x128xf32>
    %get3A_11 = vector.shape_cast %get3A_10 : vector<1x10000x128xf32> to vector<10000x128xf32>
    %add3A_12 = arith.addf %add3A, %get3A_11 : vector<10000x128xf32>
    %get3A_13 = arith.constant 0 : index
    %get3A_14 = arith.constant 0 : index
    %get3A_15 = vector.load %arg2[%get3A_13, %get3A_14] : memref<128x128xf32, #tpu.memory_space<vmem>>, vector<128x128xf32>
    %dot_general3A = arith.constant dense<0.000000e+00> : vector<10000x128xf32>
    %dot_general3A_16 = tpu.matmul %add3A_12, %get3A_15, %dot_general3A {dimension_numbers = #tpu.dot_dimension_numbers<[1], [0], [0], [1], [0, 0, 1, 1], [], []>, precision = #tpu.contract_precision<fp32>, transpose_lhs_hint = false} : vector<10000x128xf32>, vector<128x128xf32>, vector<10000x128xf32> -> vector<10000x128xf32>
    %get3A_17 = arith.constant 0 : index
    %get3A_18 = arith.constant 0 : index
    %get3A_19 = vector.load %arg3[%get3A_17, %get3A_18] : memref<1x128xf32, #tpu.memory_space<vmem>>, vector<1x128xf32>
    %add3A_20 = vector.broadcast %get3A_19 : vector<1x128xf32> to vector<10000x128xf32>
    %add3A_21 = arith.addf %dot_general3A_16, %add3A_20 : vector<10000x128xf32>
    %get3A_22 = arith.constant 0 : index
    %get3A_23 = arith.constant 0 : index
    %get3A_24 = vector.load %arg4[%get3A_22, %get3A_23] : memref<1x128xf32, #tpu.memory_space<vmem>>, vector<1x128xf32>
    %get3A_25 = arith.constant 0 : index
    %get3A_26 = arith.constant 0 : index
    %get3A_27 = vector.load %arg5[%get3A_25, %get3A_26] : memref<1x128xf32, #tpu.memory_space<vmem>>, vector<1x128xf32>
    %reduce_sum3A = arith.constant dense<0.000000e+00> : vector<128xf32>
    %reduce_sum3A_28 = vector.multi_reduction <add>, %add3A_21, %reduce_sum3A [0] : vector<10000x128xf32> to vector<128xf32>
    %broadcast_in_dim3A = vector.shape_cast %reduce_sum3A_28 : vector<128xf32> to vector<1x128xf32>
    %div3A = arith.constant 1.000000e+04 : f32
    %div3A_29 = vector.broadcast %div3A : f32 to vector<1x128xf32>
    %div3A_30 = arith.divf %broadcast_in_dim3A, %div3A_29 : vector<1x128xf32>
    %mul3A = arith.mulf %add3A_21, %add3A_21 : vector<10000x128xf32>
    %reduce_sum3A_31 = arith.constant dense<0.000000e+00> : vector<128xf32>
    %reduce_sum3A_32 = vector.multi_reduction <add>, %mul3A, %reduce_sum3A_31 [0] : vector<10000x128xf32> to vector<128xf32>
    %broadcast_in_dim3A_33 = vector.shape_cast %reduce_sum3A_32 : vector<128xf32> to vector<1x128xf32>
    %div3A_34 = arith.constant 1.000000e+04 : f32
    %div3A_35 = vector.broadcast %div3A_34 : f32 to vector<1x128xf32>
    %div3A_36 = arith.divf %broadcast_in_dim3A_33, %div3A_35 : vector<1x128xf32>
    %mul3A_37 = arith.mulf %div3A_30, %div3A_30 : vector<1x128xf32>
    %sub3A = arith.subf %div3A_36, %mul3A_37 : vector<1x128xf32>
    %add3A_38 = arith.constant 9.99999974E-6 : f32
    %add3A_39 = vector.broadcast %add3A_38 : f32 to vector<1x128xf32>
    %add3A_40 = arith.addf %sub3A, %add3A_39 : vector<1x128xf32>
    %rsqrt3A = math.rsqrt %add3A_40 : vector<1x128xf32>
    %mul3A_41 = arith.mulf %rsqrt3A, %get3A_24 : vector<1x128xf32>
    %mul3A_42 = vector.broadcast %mul3A_41 : vector<1x128xf32> to vector<10000x128xf32>
    %mul3A_43 = arith.mulf %add3A_21, %mul3A_42 : vector<10000x128xf32>
    %mul3A_44 = arith.mulf %div3A_30, %mul3A_41 : vector<1x128xf32>
    %sub3A_45 = arith.subf %get3A_27, %mul3A_44 : vector<1x128xf32>
    %add3A_46 = vector.broadcast %sub3A_45 : vector<1x128xf32> to vector<10000x128xf32>
    %add3A_47 = arith.addf %mul3A_43, %add3A_46 : vector<10000x128xf32>
    %max3A = arith.constant 0.000000e+00 : f32
    %max3A_48 = vector.broadcast %max3A : f32 to vector<10000x128xf32>
    %max3A_49 = arith.maximumf %add3A_47, %max3A_48 : vector<10000x128xf32>
    %get3A_50 = arith.constant 0 : index
    %get3A_51 = arith.constant 0 : index
    %get3A_52 = vector.load %arg6[%get3A_50, %get3A_51] : memref<128x128xf32, #tpu.memory_space<vmem>>, vector<128x128xf32>
    %dot_general3A_53 = arith.constant dense<0.000000e+00> : vector<10000x128xf32>
    %dot_general3A_54 = tpu.matmul %max3A_49, %get3A_52, %dot_general3A_53 {dimension_numbers = #tpu.dot_dimension_numbers<[1], [0], [0], [1], [0, 0, 1, 1], [], []>, precision = #tpu.contract_precision<fp32>, transpose_lhs_hint = false} : vector<10000x128xf32>, vector<128x128xf32>, vector<10000x128xf32> -> vector<10000x128xf32>
    %get3A_55 = arith.constant 0 : index
    %get3A_56 = arith.constant 0 : index
    %get3A_57 = vector.load %arg7[%get3A_55, %get3A_56] : memref<1x128xf32, #tpu.memory_space<vmem>>, vector<1x128xf32>
    %add3A_58 = vector.broadcast %get3A_57 : vector<1x128xf32> to vector<10000x128xf32>
    %add3A_59 = arith.addf %dot_general3A_54, %add3A_58 : vector<10000x128xf32>
    %get3A_60 = arith.constant 0 : index
    %get3A_61 = arith.constant 0 : index
    %get3A_62 = vector.load %arg8[%get3A_60, %get3A_61] : memref<1x128xf32, #tpu.memory_space<vmem>>, vector<1x128xf32>
    %get3A_63 = arith.constant 0 : index
    %get3A_64 = arith.constant 0 : index
    %get3A_65 = vector.load %arg9[%get3A_63, %get3A_64] : memref<1x128xf32, #tpu.memory_space<vmem>>, vector<1x128xf32>
    %reduce_sum3A_66 = arith.constant dense<0.000000e+00> : vector<128xf32>
    %reduce_sum3A_67 = vector.multi_reduction <add>, %add3A_59, %reduce_sum3A_66 [0] : vector<10000x128xf32> to vector<128xf32>
    %broadcast_in_dim3A_68 = vector.shape_cast %reduce_sum3A_67 : vector<128xf32> to vector<1x128xf32>
    %div3A_69 = arith.constant 1.000000e+04 : f32
    %div3A_70 = vector.broadcast %div3A_69 : f32 to vector<1x128xf32>
    %div3A_71 = arith.divf %broadcast_in_dim3A_68, %div3A_70 : vector<1x128xf32>
    %mul3A_72 = arith.mulf %add3A_59, %add3A_59 : vector<10000x128xf32>
    %reduce_sum3A_73 = arith.constant dense<0.000000e+00> : vector<128xf32>
    %reduce_sum3A_74 = vector.multi_reduction <add>, %mul3A_72, %reduce_sum3A_73 [0] : vector<10000x128xf32> to vector<128xf32>
    %broadcast_in_dim3A_75 = vector.shape_cast %reduce_sum3A_74 : vector<128xf32> to vector<1x128xf32>
    %div3A_76 = arith.constant 1.000000e+04 : f32
    %div3A_77 = vector.broadcast %div3A_76 : f32 to vector<1x128xf32>
    %div3A_78 = arith.divf %broadcast_in_dim3A_75, %div3A_77 : vector<1x128xf32>
    %mul3A_79 = arith.mulf %div3A_71, %div3A_71 : vector<1x128xf32>
    %sub3A_80 = arith.subf %div3A_78, %mul3A_79 : vector<1x128xf32>
    %add3A_81 = arith.constant 9.99999974E-6 : f32
    %add3A_82 = vector.broadcast %add3A_81 : f32 to vector<1x128xf32>
    %add3A_83 = arith.addf %sub3A_80, %add3A_82 : vector<1x128xf32>
    %rsqrt3A_84 = math.rsqrt %add3A_83 : vector<1x128xf32>
    %mul3A_85 = arith.mulf %rsqrt3A_84, %get3A_62 : vector<1x128xf32>
    %mul3A_86 = vector.broadcast %mul3A_85 : vector<1x128xf32> to vector<10000x128xf32>
    %mul3A_87 = arith.mulf %add3A_59, %mul3A_86 : vector<10000x128xf32>
    %mul3A_88 = arith.mulf %div3A_71, %mul3A_85 : vector<1x128xf32>
    %sub3A_89 = arith.subf %get3A_65, %mul3A_88 : vector<1x128xf32>
    %add3A_90 = vector.broadcast %sub3A_89 : vector<1x128xf32> to vector<10000x128xf32>
    %add3A_91 = arith.addf %mul3A_87, %add3A_90 : vector<10000x128xf32>
    %max3A_92 = arith.constant 0.000000e+00 : f32
    %max3A_93 = vector.broadcast %max3A_92 : f32 to vector<10000x128xf32>
    %max3A_94 = arith.maximumf %add3A_91, %max3A_93 : vector<10000x128xf32>
    %iota3A = tpu.iota {dimensions = array<i32: 0>} : vector<64x10000xi32>
    %get3A_95 = arith.constant 0 : index
    %get3A_96 = arith.constant 0 : index
    %get3A_97 = vector.load %arg10[%get3A_95, %get3A_96] : memref<1x10000xi32, #tpu.memory_space<vmem>>, vector<1x10000xi32>
    %eq3A = vector.broadcast %get3A_97 : vector<1x10000xi32> to vector<64x10000xi32>
    %eq3A_98 = arith.cmpi eq, %eq3A, %iota3A : vector<64x10000xi32>
    %convert_element_type3A = arith.extui %eq3A_98 : vector<64x10000xi1> to vector<64x10000xi32>
    %convert_element_type3A_99 = arith.sitofp %convert_element_type3A : vector<64x10000xi32> to vector<64x10000xf32>
    %dot_general3A_100 = arith.constant dense<0.000000e+00> : vector<64x128xf32>
    %dot_general3A_101 = tpu.matmul %convert_element_type3A_99, %max3A_94, %dot_general3A_100 {dimension_numbers = #tpu.dot_dimension_numbers<[1], [0], [0], [1], [0, 0, 1, 1], [], []>, precision = #tpu.contract_precision<fp32>, transpose_lhs_hint = false} : vector<64x10000xf32>, vector<10000x128xf32>, vector<64x128xf32> -> vector<64x128xf32>
    %get3A_102 = arith.constant 0 : index
    %get3A_103 = arith.constant 0 : index
    %get3A_104 = vector.load %arg11[%get3A_102, %get3A_103] : memref<128x128xf32, #tpu.memory_space<vmem>>, vector<128x128xf32>
    %dot_general3A_105 = arith.constant dense<0.000000e+00> : vector<64x128xf32>
    %dot_general3A_106 = tpu.matmul %dot_general3A_101, %get3A_104, %dot_general3A_105 {dimension_numbers = #tpu.dot_dimension_numbers<[1], [0], [0], [1], [0, 0, 1, 1], [], []>, precision = #tpu.contract_precision<fp32>, transpose_lhs_hint = false} : vector<64x128xf32>, vector<128x128xf32>, vector<64x128xf32> -> vector<64x128xf32>
    %get3A_107 = arith.constant 0 : index
    %get3A_108 = arith.constant 0 : index
    %get3A_109 = vector.load %arg12[%get3A_107, %get3A_108] : memref<1x128xf32, #tpu.memory_space<vmem>>, vector<1x128xf32>
    %add3A_110 = vector.broadcast %get3A_109 : vector<1x128xf32> to vector<64x128xf32>
    %add3A_111 = arith.addf %dot_general3A_106, %add3A_110 : vector<64x128xf32>
    %max3A_112 = arith.constant 0.000000e+00 : f32
    %max3A_113 = vector.broadcast %max3A_112 : f32 to vector<64x128xf32>
    %max3A_114 = arith.maximumf %add3A_111, %max3A_113 : vector<64x128xf32>
    %get3A_115 = arith.constant 0 : index
    %get3A_116 = arith.constant 0 : index
    %get3A_117 = vector.load %arg13[%get3A_115, %get3A_116] : memref<128x10xf32, #tpu.memory_space<vmem>>, vector<128x10xf32>
    %dot_general3A_118 = arith.constant dense<0.000000e+00> : vector<64x10xf32>
    %dot_general3A_119 = tpu.matmul %max3A_114, %get3A_117, %dot_general3A_118 {dimension_numbers = #tpu.dot_dimension_numbers<[1], [0], [0], [1], [0, 0, 1, 1], [], []>, precision = #tpu.contract_precision<fp32>, transpose_lhs_hint = false} : vector<64x128xf32>, vector<128x10xf32>, vector<64x10xf32> -> vector<64x10xf32>
    %get3A_120 = arith.constant 0 : index
    %get3A_121 = arith.constant 0 : index
    %get3A_122 = vector.load %arg14[%get3A_120, %get3A_121] : memref<1x10xf32, #tpu.memory_space<vmem>>, vector<1x10xf32>
    %add3A_123 = vector.broadcast %get3A_122 : vector<1x10xf32> to vector<64x10xf32>
    %add3A_124 = arith.addf %dot_general3A_119, %add3A_123 : vector<64x10xf32>
    %swap3A = arith.constant 0 : index
    %swap3A_125 = arith.constant 0 : index
    %swap3A_126 = vector.load %arg15[%swap3A, %swap3A_125] : memref<64x10xf32, #tpu.memory_space<vmem>>, vector<64x10xf32>
    tpu.vector_store %arg15[%swap3A, %swap3A_125], %add3A_124 {strides = array<i32>} : memref<64x10xf32, #tpu.memory_space<vmem>>, vector<64x10xf32>,
    return
  }
}

</mosaic_0001>

<sc_bundles>
// kernel: kernel.10.cloned.1.call-start
scs
__scs_entry_jumppad:
0x0: {  	(pc) =	sbr.rel $0x88, $3  }
0x1: {  	(tag) =	ssettag $0x0;
	lr =	simm.s32 $0x1  }
0x2: {  	[smem:$0x3F92] =	sst lr;
	_ =	strace $0xD0000000  }
0x3: {  	_ = 	snop  }
0x4: {  	_ = 	snop  }
0x5: {  	_ = 	snop  }
0x6: {  	_ = 	snop  }
0x7: {  	_ = 	snop  }
__scs_overlays_trampoline_lowered:
0x8: {  	[smem:$0x3FA1] =	sst s0  }
0x9: {  	[smem:$0x3FA2] =	sst s1  }
0xa: {  	[smem:$0x3FA3] =	sst s2  }
0xb: {  	[smem:$0x3FA4] =	sst s3  }
0xc: {  	[smem:$0x3FA5] =	sst s4  }
0xd: {  	[smem:$0x3FA6] =	sst s5  }
0xe: {  	[smem:$0x3FA7] =	sst s6  }
0xf: {  	[smem:$0x3FA8] =	sst s7  }
0x10: {  	[smem:$0x3FA9] =	sst s8  }
0x11: {  	[smem:$0x3FAA] =	sst s9;
	s0 =	simm.s32 @!p0 $0x0  }
0x12: {  	s1 =	sld [smem:$0x3F90];
	s0 =	simm.s32 @p0 $0x1  }
0x13: {  	[smem:$0x3FAB] =	sst s0;
	s0 =	simm.s32 @!p1 $0x0  }
0x14: {  	s2 =	sld [smem:$0x3F8F];
	s0 =	simm.s32 @p1 $0x1  }
0x15: {  	[smem:$0x3FAC] =	sst s0;
	s0 =	simm.s32 @!p2 $0x0  }
0x16: {  	s3 =	sld [smem:$0x3FDB];
	s0 =	simm.s32 @p2 $0x1  }
0x17: {  	s4 =	simm.s32 $0x1BF5;
	[smem:$0x3FAE] =	sst s0  }
0x18: {  	s0 =	sld [smem:$0x3F91];
	_ =	swait.ge [sflag:s4], $0x0  }
0x19: {  	s7 =	sld [smem:$0x3F92]  }
0x1a: {  	s8 =	sadd.s32 $0xFFFFE003, lr  }
0x1b: {  	s9 =	sadd.s32 $0xFFFFFEF7, lr;
	s5 =	simm.s32 $0xFFFFFFFF;
	p2 =	slt.u32 s8, $0xFFFFF086  }
0x1c: {  	p1 =	slt.u32 s9, $0xF7A;
	s5 =	simm.s32 @!p2 $0x0  }
0x1d: {  	s5 =	simm.s32 @p1 $0x1;
	p0 =	seq.s32 s7, s2  }
0x1e: {  	s7 =	smul.u32 @!p0 $0xF7A, s2;
	p2 =	seq.s32 @!p0 s5, $0x0  }
0x1f: {  	s9 =	smul.u32 $0xF7A, s1;
	s8 =	simm.s32 @!p0 $0x1BF5;
	p2 =	por !p2, p0  }
0x20: {  	[sflag:s8] =	ssyncset.s32 @!p0 $0xFFFFF086;
	s6 =	sadd.s32 @!p0 s3, s7;
	s7 =	simm.s32 @!p0 $0x108  }
0x21: {  	s3 =	sadd.s32 s3, s9;
	s6 =	sadd.s32 @!p0 $0x88, s6;
	s7 =	simm.s32 @p2 $0x1082  }
0x22: {  	[simem:s7], [sflag:s8] =	dma.local @!p0 [hbm:s6], $0xF7A  }
0x23: {  	s9 =	sor.u32 $0xD0000000, s2;
	s6 =	simm.s32 $0x108;
	_ =	swait.ge @!p0 [sflag:s8], $0x0  }
0x24: {  	s3 =	sadd.s32 $0x88, s3;
	s6 =	simm.s32 @!p1 $0x1082;
	[sflag:s4] =	ssyncset.s32 $0xFFFFF086  }
0x25: {  	[simem:s6], [sflag:s4] =	dma.local [hbm:s3], $0xF7A  }
0x26: {  	[smem:$0x3F92] =	sst s1;
	(tag) =	ssettag s2;
	_ =	strace s9  }
0x27: {  	s1 =	sld [smem:$0x3FA2]  }
0x28: {  	s2 =	sld [smem:$0x3FA3]  }
0x29: {  	s4 =	sld [smem:$0x3FA5]  }
0x2a: {  	p0 =	seq.s32 s5, $0x0;
	s5 =	sld [smem:$0x3FA6]  }
0x2b: {  	s6 =	sld [smem:$0x3FA7]  }
0x2c: {  	s7 =	sld [smem:$0x3FA8]  }
0x2d: {  	s3 =	simm.s32 $0x108;
	s8 =	sld [smem:$0x3FA9]  }
0x2e: {  	s3 =	simm.s32 @!p0 $0x1082;
	s9 =	sld [smem:$0x3FAA]  }
0x2f: {  	lr =	sadd.s32 s0, s3;
	s0 =	sld [smem:$0x3FA1]  }
0x30: {  	s3 =	sld [smem:$0x3FA4]  }
0x31: {  	[smem:$0x3FAD] =	sst s10  }
0x32: {  	s10 =	sld [smem:$0x3FAB];
	_ =	sdelay $0x3  }
0x33: {  	p0 =	seq.s32 s10, $0x1;
	s10 =	sld [smem:$0x3FAD];
	_ =	sdelay $0x3  }
0x34: {  	[smem:$0x3FAD] =	sst s10  }
0x35: {  	s10 =	sld [smem:$0x3FAC];
	_ =	sdelay $0x3  }
0x36: {  	p1 =	seq.s32 s10, $0x1;
	s10 =	sld [smem:$0x3FAD];
	_ =	sdelay $0x3  }
0x37: {  	[smem:$0x3FAD] =	sst s10  }
0x38: {  	s10 =	sld [smem:$0x3FAE]  }
0x39: {  	_ = 	snop;
	(pc) =	sbr.ind lr, $3  }
0x3a: {  	_ = 	snop  }
0x3b: {  	_ = 	snop  }
0x3c: {  	p2 =	seq.s32 s10, $0x1;
	s10 =	sld [smem:$0x3FAD]  }
0x3d: {  	_ =	shalt  }
0x3e: {  	_ =	shalt  }
0x3f: {  	_ =	shalt  }
0x40: {  	_ =	shalt  }
0x41: {  	_ =	shalt  }
0x42: {  	_ =	shalt  }
0x43: {  	_ =	shalt  }
0x44: {  	_ =	shalt  }
0x45: {  	_ =	shalt  }
0x46: {  	_ =	shalt  }
0x47: {  	_ =	shalt  }
0x48: {  	_ =	shalt  }
0x49: {  	_ =	shalt  }
0x4a: {  	_ =	shalt  }
0x4b: {  	_ =	shalt  }
0x4c: {  	_ =	shalt  }
0x4d: {  	_ =	shalt  }
0x4e: {  	_ =	shalt  }
0x4f: {  	_ =	shalt  }
0x50: {  	_ =	shalt  }
0x51: {  	_ =	shalt  }
0x52: {  	_ =	shalt  }
0x53: {  	_ =	shalt  }
0x54: {  	_ =	shalt  }
0x55: {  	_ =	shalt  }
0x56: {  	_ =	shalt  }
0x57: {  	_ =	shalt  }
0x58: {  	_ =	shalt  }
0x59: {  	_ =	shalt  }
0x5a: {  	_ =	shalt  }
0x5b: {  	_ =	shalt  }
0x5c: {  	_ =	shalt  }
0x5d: {  	_ =	shalt  }
0x5e: {  	_ =	shalt  }
0x5f: {  	_ =	shalt  }
0x60: {  	_ =	shalt  }
0x61: {  	_ =	shalt  }
0x62: {  	_ =	shalt  }
0x63: {  	_ =	shalt  }
0x64: {  	_ =	shalt  }
0x65: {  	_ =	shalt  }
0x66: {  	_ =	shalt  }
0x67: {  	_ =	shalt  }
0x68: {  	_ =	shalt  }
0x69: {  	_ =	shalt  }
0x6a: {  	_ =	shalt  }
0x6b: {  	_ =	shalt  }
0x6c: {  	_ =	shalt  }
0x6d: {  	_ =	shalt  }
0x6e: {  	_ =	shalt  }
0x6f: {  	_ =	shalt  }
0x70: {  	_ =	shalt  }
0x71: {  	_ =	shalt  }
0x72: {  	_ =	shalt  }
0x73: {  	_ =	shalt  }
0x74: {  	_ =	shalt  }
0x75: {  	_ =	shalt  }
0x76: {  	_ =	shalt  }
0x77: {  	_ =	shalt  }
0x78: {  	_ =	shalt  }
0x79: {  	_ =	shalt  }
0x7a: {  	_ =	shalt  }
0x7b: {  	_ =	shalt  }
0x7c: {  	_ =	shalt  }
0x7d: {  	_ =	shalt  }
0x7e: {  	_ =	shalt  }
0x7f: {  	_ =	shalt  }
0x80: {  	_ =	shalt  }
0x81: {  	_ =	shalt  }
0x82: {  	_ =	shalt  }
0x83: {  	_ =	shalt  }
0x84: {  	_ =	shalt  }
0x85: {  	_ =	shalt  }
0x86: {  	_ =	shalt  }
0x87: {  	_ =	shalt  }
.Lfunc_end0:
.L_simem_size_0:
called_computation_lowered:
.L_overlay_start_0:
0x88: {  	s2 =	sld [smem:$0x3FD9]  }
0x89: {  	s3 =	sld [smem:$0x3FFE];
	_ =	sdelay $0x1  }
0x8a: {  	s1 =	srdreg.scid  }
0x8b: {  	s0 =	sand.u32 $0x1, s1  }
0x8c: {  	s17 =	sshll.u32 s0, $0xA;
	s2 =	sadd.s32 s3, s2  }
0x8d: {  	s2 =	sadd.s32 s2, s17  }
0x8e: {  	[smem:$0x3FB9] =	sst s2  }
0x8f: {  	_ = 	snop  }
0x90: {  	s2 =	sld [smem:$0x3FC9];
	(tm) =	ssettm $0x1  }
0x91: {  	s18 =	sld [smem:$0x3FFB];
	_ =	sdelay $0x3  }
0x92: {  	_ =	strace s18  }
0x93: {  	s3 =	sld [smem:$0x3FFC];
	_ =	sdelay $0x3  }
0x94: {  	_ =	strace s3  }
0x95: {  	s3 =	sld [smem:$0x3FFD];
	_ =	sdelay $0x3  }
0x96: {  	_ =	strace s3  }
0x97: {  	_ =	strace $0x8FFFFFFF  }
0x98: {  	s19 =	sld [smem:$0x3FDB];
	_ =	sdelay $0x1  }
0x99: {  	s4 =	simm.s32 $_scs_section_size  }
0x9a: {  	s5 =	simm.s32 $_size__tile_overlayer_lowered;
	s6 =	simm.s32 $_tile_overlayer_lowered  }
0x9b: {  	s22 =	simm.s32 $0x1BFF;
	s21 =	sshll.u32 s6, $0x1;
	s3 =	sadd.s32 s4, s19  }
0x9c: {  	s7 =	simm.s32 $0x0;
	s20 =	sshll.u32 s5, $0x1;
	s5 =	sadd.s32 s21, s3  }
0x9d: {  	[timem:s7], [sflag:s22] =	dma.local [hbm:s5], s20  }
0x9e: {  	_ =	swait.ge [sflag:s22], s20  }
0x9f: {  	s4 =	ssub.s32 $0x0, s20;
	[sflag:s22] =	ssyncset.done $0x0  }
0xa0: {  	[sflag:s22] =	ssyncadd.s32 s4;
	_ =	sdelay $0x1  }
0xa1: {  	s23 =	simm.s32 $0x1B8B  }
0xa2: {  	_ =	swait.ge [sflag:s23], $0x1  }
0xa3: {  	[sflag:s23] =	ssyncset.done $0x0  }
0xa4: {  	s25 =	simm.s32 $0x1B8E;
	s24 =	sld [smem:$0x3FFE];
	[sflag:s23] =	ssyncadd.s32 $0xFFFFFFFF  }
0xa5: {  	s26 =	simm.s32 $execute0_lowered;
	[smem:$0x3FD2] =	sst s25  }
0xa6: {  	s5 =	sshll.u32 s26, $0x1;
	_ =	strace $0x80000046;
	[dreg:$0x1] =	wrdreg $0xFFFFFFFF  }
0xa7: {  	s28 =	simm.s32 $_size_execute0_lowered;
	s3 =	sadd.s32 s3, s5;
	[dreg:$0x0] =	wrdreg $0x0  }
0xa8: {  	s5 =	sshll.u32 s28, $0x1;
	[dreg:$0x2] =	wrdreg s3  }
0xa9: {  	[dreg:$0x3] =	wrdreg s5  }
0xaa: {  	[dreg:$0x4] =	wrdreg $0xC0  }
0xab: {  	_ =	task [dreg:s7], $0x5FFFF  }
0xac: {  	[dreg:$0x1] =	wrdreg $0xFFFFFFFF  }
0xad: {  	[dreg:$0x0] =	wrdreg $0x60  }
0xae: {  	[dreg:$0x2] =	wrdreg s2  }
0xaf: {  	[dreg:$0x3] =	wrdreg s24  }
0xb0: {  	[dreg:$0x4] =	wrdreg $0x90000  }
0xb1: {  	[dreg:$0x5] =	wrdreg $0x9  }
0xb2: {  	_ =	task.clear_ibuf [dreg:s7], $0x6FFFF;
	_ =	strace $0x90000046  }
0xb3: {  	s29 =	simm.s32 $0x9;
	_ =	strace $0x80000048  }
0xb4: {  	_ =	swait.ge [sflag:s29], $0x1  }
0xb5: {  	[sflag:s29] =	ssyncadd.s32 $0xFFFFFFFF  }
0xb6: {  	_ =	strace $0x90000048  }
0xb7: {  	_ =	sfence  }
0xb8: {  	s30 =	sld [smem:$0x0];
	_ =	sdelay $0x2  }
0xb9: {  	s31 =	sshll.u32 s1, $0xD;
	s1 =	sshrl.u32 s1, $0x2  }
0xba: {  	s3 =	sand.u32 $0x4000, s31;
	s1 =	sadd.s32 s1, s30  }
0xbb: {  	s0 =	sor.u32 s3, s0;
	s1 =	sshll.u32 s1, $0x11  }
0xbc: {  	s0 =	sor.u32 s1, s0  }
0xbd: {  	s0 =	sadd.s32 $0x8F2B, s0  }
0xbe: {  	[sflag:s0] =	ssyncadd.remote.s32 $0x1  }
0xbf: {  	_ =	sfence.sel $0xFFFF  }
0xc0: {  	[dreg:$0x0] =	wrdreg $0xFFFFFFFF;
	(pc) =	sbr.abs _section_cstart, $3  }
0xc1: {  	[dreg:$0x1] =	wrdreg $0xFFFFFFFF  }
0xc2: {  	_ =	task.clear_ibuf [dreg:s7], $0x2FFFF;
	_ =	strace $0x9FFFFFFF  }
0xc3: {  	(tm) =	ssettm $0x7FFFFFFF  }
tec
execute0_lowered:
.L_overlay_start_1:
0x0: {  	(tag) =	ssettag $0x1  }
0x1: {  	s1 =	rddreg [dreg:$0x0]  }
0x2: {  	s2 =	srdreg.scid;
	s6 =	rddreg [dreg:$0x1]  }
0x3: {  	s0 =	stileid.u32;
	s3 =	rddreg [dreg:$0x2];
	s4 =	simm.s32 $0x0  }
0x4: {  	s14 =	simm.s32 $0x7000;
	s15 =	simm.s32 $0x1;
	s16 =	simm.s32 $0x2  }
0x5: {  	s17 =	simm.s32 $0x4E40;
	s18 =	simm.s32 $0x0;
	s5 =	sand.u32 $0x1, s2  }
0x6: {  	s28 =	sshll.u32 s0, $0x1;
	s8 =	smul.u32 $0x14000, s0;
	[smem:$0x7FF] =	sst s4  }
0x7: {  	s29 =	smul.u32 $0x50000, s0;
	s12 =	sshll.u32 s0, $0x6;
	s2 =	sor.u32 s5, s28  }
0x8: {  	s9 =	smul.u32 $0x140000, s5;
	s5 =	ssub.s32 $0x2, s5;
	s12 =	sor.u32 $0x1C03, s12  }
0x9: {  	s7 =	smul.u32 $0xA00, s2;
	s2 =	rddreg [dreg:$0x3];
	_ =	strace $0x80000047  }
0xa: {  	s10 =	sshrl.u32 s8, $0x3;
	s30 =	sshrl.u32 s5, $0x1;
	s31 =	sshrl.u32 s29, $0x2  }
0xb: {  	s8 =	sadd.s32 s8, s9;
	s10 =	sadd.s32 s10, s6;
	s11 =	ssub.s32 s5, s30  }
0xc: {  	s13 =	sadd.s32 s31, s3;
	s9 =	simm.s32 $0x3;
	s8 =	sshrl.u32 s8, $0x3  }
0xd: {  	s7 =	sadd.s32 s7, s6;
	s13 =	sshrl.u32 s13, $0x3;
	s8 =	sadd.s32 s8, s6  }
0xe: {  	s5 =	sadd.s32 $0x4600, s7;
	s6 =	sadd.s32 $0x18600, s10;
	s10 =	simm.s32 $0x40  }
0xf: {  	s7 =	sadd.s32 $0x40600, s8;
	s8 =	smax.u32 s11, $0x1;
	s11 =	simm.s32 $0x5000  }
.LBB2_1:
0x10: {  	[tilespmem:s4], [sflag:$0x3] =	stream.linear.gather [hbm4b:s5+s4], $0x4E80, $0x38;
	[tilespmem:$0x1D000] =	vst v63  }
0x11: {  	_ =	swait.ge [sflag:s9], $0x4E80  }
0x12: {  	[sflag:s9] =	ssyncset.done $0x0  }
0x13: {  	[sflag:s9] =	ssyncadd.s32 $0xFFFFB180  }
0x14: {  	[tilespmem:s11], [sflag:$0x1] =	stream.indirect.gather [hbm4b:s1+s10], $0x80, s4, s10, $0xb8;
	[tilespmem:$0x1D000] =	vst v63  }
0x15: {  	[spmem:s13], [sflag:s12] =	dma.local [hbm:s6], $0x2800  }
0x16: {  	_ =	swait.ge [sflag:s9], $0x2800  }
0x17: {  	[sflag:s9] =	ssyncset.done $0x0  }
0x18: {  	[sflag:s9] =	ssyncadd.s32 $0xFFFFD800  }
0x19: {  	s19 =	simm.s32 $0x80;
	[bflag:$0x0] =	sbarrier.arrive $0xFFFF  }
0x1a: {  	[tilespmem:s14], [sflag:$0x2] =	stream.indirect.gather [hbm4b:s1+s10], $0x80, s19, s10, $0xb8;
	[tilespmem:$0x1D000] =	vst v63  }
0x1b: {  	_ =	swait.ge [sflag:s15], $0x2000  }
0x1c: {  	[sflag:s15] =	ssyncset.done $0x0  }
0x1d: {  	s29 =	simm.s32 $0x40;
	[sflag:s15] =	ssyncadd.s32 $0xFFFFE000  }
0x1e: {  	[spmem:s3] =	stream.indirect.scatter.add.f32 [tilespmem:s11], [sflag:$0x3], $0x80, s29, s10, $0xb8;
	[tilespmem:$0x1D000] =	vst v63  }
0x1f: {  	_ =	swait.ge [sflag:s9], $0x2000  }
0x20: {  	[sflag:s9] =	ssyncset.done $0x0  }
0x21: {  	s30 =	simm.s32 $0x100;
	[sflag:s9] =	ssyncadd.s32 $0xFFFFE000  }
0x22: {  	[tilespmem:s11], [sflag:$0x1] =	stream.indirect.gather [hbm4b:s1+s10], $0x80, s30, s10, $0xb8;
	[tilespmem:$0x1D000] =	vst v63  }
0x23: {  	_ =	swait.ge [sflag:s16], $0x2000  }
0x24: {  	[sflag:s16] =	ssyncset.done $0x0  }
0x25: {  	s31 =	simm.s32 $0xC0;
	[sflag:s16] =	ssyncadd.s32 $0xFFFFE000  }
0x26: {  	[spmem:s3] =	stream.indirect.scatter.add.f32 [tilespmem:s14], [sflag:$0x3], $0x80, s31, s10, $0xb8;
	[tilespmem:$0x1D000] =	vst v63  }
0x27: {  	_ =	swait.ge [sflag:s9], $0x2000  }
0x28: {  	s20 =	simm.s32 $0xFFFED000;
	s19 =	simm.s32 $0xFFFFB300;
	[sflag:s9] =	ssyncset.done $0x0  }
.LBB2_2:
0x29: {  	s21 =	sadd.s32 $0x4E80, s19  }
0x2a: {  	[sflag:s9] =	ssyncadd.s32 $0xFFFFE000;
	s22 =	smov.u32 s20;
	s23 =	sadd.s32 $0x400, s20  }
0x2b: {  	[tilespmem:s14], [sflag:$0x2] =	stream.indirect.gather [hbm4b:s1+s10], $0x80, s21, s10, $0xb8;
	[tilespmem:$0x1D000] =	vst v63  }
0x2c: {  	p0 =	sne.s32 s20, $0xFFFFFC00;
	_ =	swait.ge [sflag:s15], $0x2000  }
0x2d: {  	[sflag:s15] =	ssyncset.done $0x0  }
0x2e: {  	s20 =	sadd.s32 $0x4E40, s19;
	[sflag:s15] =	ssyncadd.s32 $0xFFFFE000  }
0x2f: {  	[spmem:s3] =	stream.indirect.scatter.add.f32 [tilespmem:s11], [sflag:$0x3], $0x80, s20, s10, $0xb8;
	[tilespmem:$0x1D000] =	vst v63  }
0x30: {  	_ =	swait.ge [sflag:s9], $0x2000  }
0x31: {  	[sflag:s9] =	ssyncset.done $0x0  }
0x32: {  	s20 =	sadd.s32 $0x4F00, s19;
	[sflag:s9] =	ssyncadd.s32 $0xFFFFE000  }
0x33: {  	[tilespmem:s11], [sflag:$0x1] =	stream.indirect.gather [hbm4b:s1+s10], $0x80, s20, s10, $0xb8;
	[tilespmem:$0x1D000] =	vst v63  }
0x34: {  	_ =	swait.ge [sflag:s16], $0x2000  }
.Ltmp0:
0x35: {  	[sflag:s16] =	ssyncset.done $0x0;
	(pc) =	sbr.rel @p0 .LBB2_2-.Ltmp0, $4  }
0x36: {  	s19 =	sadd.s32 $0x4EC0, s19;
	[sflag:s16] =	ssyncadd.s32 $0xFFFFE000  }
0x37: {  	[spmem:s3] =	stream.indirect.scatter.add.f32 [tilespmem:s14], [sflag:$0x3], $0x80, s19, s10, $0xb8;
	[tilespmem:$0x1D000] =	vst v63  }
0x38: {  	_ =	swait.ge [sflag:s9], $0x2000  }
0x39: {  	s20 =	smov.u32 s23;
	s19 =	sshra.s32 s22, $0x2;
	[sflag:s9] =	ssyncset.done $0x0  }
0x3a: {  	s20 =	sadd.s32 $0x4E80, s19;
	[sflag:s9] =	ssyncadd.s32 $0xFFFFE000  }
0x3b: {  	[tilespmem:s14], [sflag:$0x2] =	stream.indirect.gather [hbm4b:s1+s10], $0x80, s20, s10, $0xb8;
	[tilespmem:$0x1D000] =	vst v63  }
0x3c: {  	_ =	swait.ge [sflag:s15], $0x2000  }
0x3d: {  	[sflag:s15] =	ssyncset.done $0x0  }
0x3e: {  	s29 =	sadd.s32 $0x4E40, s19;
	[sflag:s15] =	ssyncadd.s32 $0xFFFFE000  }
0x3f: {  	[spmem:s3] =	stream.indirect.scatter.add.f32 [tilespmem:s11], [sflag:$0x3], $0x80, s29, s10, $0xb8;
	[tilespmem:$0x1D000] =	vst v63  }
0x40: {  	_ =	swait.ge [sflag:s9], $0x2000  }
0x41: {  	[sflag:s9] =	ssyncset.done $0x0  }
0x42: {  	s30 =	sadd.s32 $0x4F00, s19;
	[sflag:s9] =	ssyncadd.s32 $0xFFFFE000  }
0x43: {  	[tilespmem:s11], [sflag:$0x1] =	stream.indirect.gather [hbm4b:s1+s10], $0x80, s30, s10, $0xb8;
	[tilespmem:$0x1D000] =	vst v63  }
0x44: {  	_ =	swait.ge [sflag:s16], $0x2000  }
0x45: {  	[sflag:s16] =	ssyncset.done $0x0  }
0x46: {  	s31 =	sadd.s32 $0x4EC0, s19;
	[sflag:s16] =	ssyncadd.s32 $0xFFFFE000  }
0x47: {  	[spmem:s3] =	stream.indirect.scatter.add.f32 [tilespmem:s14], [sflag:$0x3], $0x80, s31, s10, $0xb8;
	[tilespmem:$0x1D000] =	vst v63  }
0x48: {  	_ =	swait.ge [sflag:s9], $0x2000  }
0x49: {  	[sflag:s9] =	ssyncset.done $0x0  }
0x4a: {  	[sflag:s9] =	ssyncadd.s32 $0xFFFFE000  }
0x4b: {  	_ =	swait.ge [sflag:s15], $0x2000  }
0x4c: {  	[sflag:s15] =	ssyncset.done $0x0  }
0x4d: {  	[sflag:s15] =	ssyncadd.s32 $0xFFFFE000  }
0x4e: {  	[spmem:s3] =	stream.indirect.scatter.add.f32 [tilespmem:s11], [sflag:$0x3], $0x80, s17, s10, $0xb8;
	[tilespmem:$0x1D000] =	vst v63  }
0x4f: {  	_ =	swait.ge [sflag:s9], $0x2000  }
0x50: {  	s18 =	sadd.s32 $0x1, s18;
	[sflag:s9] =	ssyncset.done $0x0  }
0x51: {  	p0 =	sne.s32 s18, s8;
	[sflag:s9] =	ssyncadd.s32 $0xFFFFE000  }
.Ltmp1:
0x52: {  	[bflag:$0x0] =	sbarrier.arrive $0xFFFF;
	(pc) =	sbr.rel @p0 .LBB2_1-.Ltmp1, $4  }
0x53: {  	[hbm:s7], [sflag:s12] =	dma.local [spmem:s13], $0x2800  }
0x54: {  	_ =	swait.ge [sflag:s9], $0x2800  }
0x55: {  	[sflag:s9] =	ssyncset.done $0x0  }
0x56: {  	[sflag:s9] =	ssyncadd.s32 $0xFFFFD800  }
0x57: {  	_ =	sfence.sel $0x180000  }
0x58: {  	[bflag:$0x0] =	sbarrier.arrive $0xFFFF  }
0x59: {  	p0 =	sne.s32 s0, $0x0;
	_ =	strace $0x90000047  }
0x5a: {  	s0 =	sadd.s32 @!p0 $0x100000, s2;
	[bflag:$0x2] =	sbarrier.arrive $0xFFFF  }
0x5b: {  	[sflag:s0] =	ssyncadd.tile.s32 @!p0 $0x1;
	_ =	shalt  }
.Lfunc_end2:
_tile_overlayer_lowered:
.L_overlay_start_2:
0x5c: {  	(tag) =	ssettag $0x2  }
0x5d: {  	s0 =	rddreg [dreg:$0x0];
	s2 =	stileid.u32  }
0x5e: {  	s1 =	rddreg [dreg:$0x1];
	p0 =	sne.s32 s2, $0x0  }
0x5f: {  	s3 =	rddreg [dreg:$0x2];
	[bflag:$0x3] =	sbarrier.arrive $0xFFFF;
	s2 =	simm.s32 @!p0 $0x1C03  }
0x60: {  	[timem:s3], [sflag:s2] =	dma.local @!p0 [hbm:s0], s1  }
0x61: {  	s0 =	simm.s32 @!p0 $0x3  }
0x62: {  	_ =	swait.ge @!p0 [sflag:s0], s1  }
0x63: {  	s1 =	ssub.s32 @!p0 $0x0, s1;
	[sflag:s0] =	ssyncset.done @!p0 $0x0  }
0x64: {  	[sflag:s0] =	ssyncadd.s32 @!p0 s1  }
0x65: {  	[bflag:$0x3] =	sbarrier.arrive $0xFFFF  }
0x66: {  	_ =	shalt  }

// kernel: kernel.13.cloned.1.call-start
scs
__scs_entry_jumppad:
0x0: {  	(pc) =	sbr.rel $0x88, $3  }
0x1: {  	(tag) =	ssettag $0x0;
	lr =	simm.s32 $0x1  }
0x2: {  	[smem:$0x3F92] =	sst lr;
	_ =	strace $0xD0000000  }
0x3: {  	_ = 	snop  }
0x4: {  	_ = 	snop  }
0x5: {  	_ = 	snop  }
0x6: {  	_ = 	snop  }
0x7: {  	_ = 	snop  }
__scs_overlays_trampoline_lowered:
0x8: {  	[smem:$0x3FA1] =	sst s0  }
0x9: {  	[smem:$0x3FA2] =	sst s1  }
0xa: {  	[smem:$0x3FA3] =	sst s2  }
0xb: {  	[smem:$0x3FA4] =	sst s3  }
0xc: {  	[smem:$0x3FA5] =	sst s4  }
0xd: {  	[smem:$0x3FA6] =	sst s5  }
0xe: {  	[smem:$0x3FA7] =	sst s6  }
0xf: {  	[smem:$0x3FA8] =	sst s7  }
0x10: {  	[smem:$0x3FA9] =	sst s8  }
0x11: {  	[smem:$0x3FAA] =	sst s9;
	s0 =	simm.s32 @!p0 $0x0  }
0x12: {  	s1 =	sld [smem:$0x3F90];
	s0 =	simm.s32 @p0 $0x1  }
0x13: {  	[smem:$0x3FAB] =	sst s0;
	s0 =	simm.s32 @!p1 $0x0  }
0x14: {  	s2 =	sld [smem:$0x3F8F];
	s0 =	simm.s32 @p1 $0x1  }
0x15: {  	[smem:$0x3FAC] =	sst s0;
	s0 =	simm.s32 @!p2 $0x0  }
0x16: {  	s3 =	sld [smem:$0x3FDB];
	s0 =	simm.s32 @p2 $0x1  }
0x17: {  	s4 =	simm.s32 $0x1BF5;
	[smem:$0x3FAE] =	sst s0  }
0x18: {  	s0 =	sld [smem:$0x3F91];
	_ =	swait.ge [sflag:s4], $0x0  }
0x19: {  	s7 =	sld [smem:$0x3F92]  }
0x1a: {  	s8 =	sadd.s32 $0xFFFFE003, lr  }
0x1b: {  	s9 =	sadd.s32 $0xFFFFFEF7, lr;
	s5 =	simm.s32 $0xFFFFFFFF;
	p2 =	slt.u32 s8, $0xFFFFF086  }
0x1c: {  	p1 =	slt.u32 s9, $0xF7A;
	s5 =	simm.s32 @!p2 $0x0  }
0x1d: {  	s5 =	simm.s32 @p1 $0x1;
	p0 =	seq.s32 s7, s2  }
0x1e: {  	s7 =	smul.u32 @!p0 $0xF7A, s2;
	p2 =	seq.s32 @!p0 s5, $0x0  }
0x1f: {  	s9 =	smul.u32 $0xF7A, s1;
	s8 =	simm.s32 @!p0 $0x1BF5;
	p2 =	por !p2, p0  }
0x20: {  	[sflag:s8] =	ssyncset.s32 @!p0 $0xFFFFF086;
	s6 =	sadd.s32 @!p0 s3, s7;
	s7 =	simm.s32 @!p0 $0x108  }
0x21: {  	s3 =	sadd.s32 s3, s9;
	s6 =	sadd.s32 @!p0 $0x88, s6;
	s7 =	simm.s32 @p2 $0x1082  }
0x22: {  	[simem:s7], [sflag:s8] =	dma.local @!p0 [hbm:s6], $0xF7A  }
0x23: {  	s9 =	sor.u32 $0xD0000000, s2;
	s6 =	simm.s32 $0x108;
	_ =	swait.ge @!p0 [sflag:s8], $0x0  }
0x24: {  	s3 =	sadd.s32 $0x88, s3;
	s6 =	simm.s32 @!p1 $0x1082;
	[sflag:s4] =	ssyncset.s32 $0xFFFFF086  }
0x25: {  	[simem:s6], [sflag:s4] =	dma.local [hbm:s3], $0xF7A  }
0x26: {  	[smem:$0x3F92] =	sst s1;
	(tag) =	ssettag s2;
	_ =	strace s9  }
0x27: {  	s1 =	sld [smem:$0x3FA2]  }
0x28: {  	s2 =	sld [smem:$0x3FA3]  }
0x29: {  	s4 =	sld [smem:$0x3FA5]  }
0x2a: {  	p0 =	seq.s32 s5, $0x0;
	s5 =	sld [smem:$0x3FA6]  }
0x2b: {  	s6 =	sld [smem:$0x3FA7]  }
0x2c: {  	s7 =	sld [smem:$0x3FA8]  }
0x2d: {  	s3 =	simm.s32 $0x108;
	s8 =	sld [smem:$0x3FA9]  }
0x2e: {  	s3 =	simm.s32 @!p0 $0x1082;
	s9 =	sld [smem:$0x3FAA]  }
0x2f: {  	lr =	sadd.s32 s0, s3;
	s0 =	sld [smem:$0x3FA1]  }
0x30: {  	s3 =	sld [smem:$0x3FA4]  }
0x31: {  	[smem:$0x3FAD] =	sst s10  }
0x32: {  	s10 =	sld [smem:$0x3FAB];
	_ =	sdelay $0x3  }
0x33: {  	p0 =	seq.s32 s10, $0x1;
	s10 =	sld [smem:$0x3FAD];
	_ =	sdelay $0x3  }
0x34: {  	[smem:$0x3FAD] =	sst s10  }
0x35: {  	s10 =	sld [smem:$0x3FAC];
	_ =	sdelay $0x3  }
0x36: {  	p1 =	seq.s32 s10, $0x1;
	s10 =	sld [smem:$0x3FAD];
	_ =	sdelay $0x3  }
0x37: {  	[smem:$0x3FAD] =	sst s10  }
0x38: {  	s10 =	sld [smem:$0x3FAE]  }
0x39: {  	_ = 	snop;
	(pc) =	sbr.ind lr, $3  }
0x3a: {  	_ = 	snop  }
0x3b: {  	_ = 	snop  }
0x3c: {  	p2 =	seq.s32 s10, $0x1;
	s10 =	sld [smem:$0x3FAD]  }
0x3d: {  	_ =	shalt  }
0x3e: {  	_ =	shalt  }
0x3f: {  	_ =	shalt  }
0x40: {  	_ =	shalt  }
0x41: {  	_ =	shalt  }
0x42: {  	_ =	shalt  }
0x43: {  	_ =	shalt  }
0x44: {  	_ =	shalt  }
0x45: {  	_ =	shalt  }
0x46: {  	_ =	shalt  }
0x47: {  	_ =	shalt  }
0x48: {  	_ =	shalt  }
0x49: {  	_ =	shalt  }
0x4a: {  	_ =	shalt  }
0x4b: {  	_ =	shalt  }
0x4c: {  	_ =	shalt  }
0x4d: {  	_ =	shalt  }
0x4e: {  	_ =	shalt  }
0x4f: {  	_ =	shalt  }
0x50: {  	_ =	shalt  }
0x51: {  	_ =	shalt  }
0x52: {  	_ =	shalt  }
0x53: {  	_ =	shalt  }
0x54: {  	_ =	shalt  }
0x55: {  	_ =	shalt  }
0x56: {  	_ =	shalt  }
0x57: {  	_ =	shalt  }
0x58: {  	_ =	shalt  }
0x59: {  	_ =	shalt  }
0x5a: {  	_ =	shalt  }
0x5b: {  	_ =	shalt  }
0x5c: {  	_ =	shalt  }
0x5d: {  	_ =	shalt  }
0x5e: {  	_ =	shalt  }
0x5f: {  	_ =	shalt  }
0x60: {  	_ =	shalt  }
0x61: {  	_ =	shalt  }
0x62: {  	_ =	shalt  }
0x63: {  	_ =	shalt  }
0x64: {  	_ =	shalt  }
0x65: {  	_ =	shalt  }
0x66: {  	_ =	shalt  }
0x67: {  	_ =	shalt  }
0x68: {  	_ =	shalt  }
0x69: {  	_ =	shalt  }
0x6a: {  	_ =	shalt  }
0x6b: {  	_ =	shalt  }
0x6c: {  	_ =	shalt  }
0x6d: {  	_ =	shalt  }
0x6e: {  	_ =	shalt  }
0x6f: {  	_ =	shalt  }
0x70: {  	_ =	shalt  }
0x71: {  	_ =	shalt  }
0x72: {  	_ =	shalt  }
0x73: {  	_ =	shalt  }
0x74: {  	_ =	shalt  }
0x75: {  	_ =	shalt  }
0x76: {  	_ =	shalt  }
0x77: {  	_ =	shalt  }
0x78: {  	_ =	shalt  }
0x79: {  	_ =	shalt  }
0x7a: {  	_ =	shalt  }
0x7b: {  	_ =	shalt  }
0x7c: {  	_ =	shalt  }
0x7d: {  	_ =	shalt  }
0x7e: {  	_ =	shalt  }
0x7f: {  	_ =	shalt  }
0x80: {  	_ =	shalt  }
0x81: {  	_ =	shalt  }
0x82: {  	_ =	shalt  }
0x83: {  	_ =	shalt  }
0x84: {  	_ =	shalt  }
0x85: {  	_ =	shalt  }
0x86: {  	_ =	shalt  }
0x87: {  	_ =	shalt  }
.Lfunc_end0:
.L_simem_size_0:
called_computation.1_lowered:
.L_overlay_start_0:
0x88: {  	s2 =	sld [smem:$0x3FD9]  }
0x89: {  	s3 =	sld [smem:$0x3FFE];
	_ =	sdelay $0x1  }
0x8a: {  	s1 =	srdreg.scid  }
0x8b: {  	s0 =	sand.u32 $0x1, s1  }
0x8c: {  	s16 =	sshll.u32 s0, $0xA;
	s2 =	sadd.s32 s3, s2  }
0x8d: {  	s2 =	sadd.s32 s2, s16  }
0x8e: {  	[smem:$0x3FB9] =	sst s2  }
0x8f: {  	_ = 	snop  }
0x90: {  	(tm) =	ssettm $0x1  }
0x91: {  	s17 =	sld [smem:$0x3FFB];
	_ =	sdelay $0x3  }
0x92: {  	_ =	strace s17  }
0x93: {  	s2 =	sld [smem:$0x3FFC];
	_ =	sdelay $0x3  }
0x94: {  	_ =	strace s2  }
0x95: {  	s2 =	sld [smem:$0x3FFD];
	_ =	sdelay $0x3  }
0x96: {  	_ =	strace s2  }
0x97: {  	_ =	strace $0x8FFFFFFF  }
0x98: {  	s18 =	sld [smem:$0x3FDB];
	_ =	sdelay $0x1  }
0x99: {  	s19 =	simm.s32 $_scs_section_size  }
0x9a: {  	s4 =	simm.s32 $_size__tile_overlayer_lowered;
	s5 =	simm.s32 $_tile_overlayer_lowered  }
0x9b: {  	s22 =	simm.s32 $0x1BFF;
	s21 =	sshll.u32 s5, $0x1;
	s2 =	sadd.s32 s19, s18  }
0x9c: {  	s6 =	simm.s32 $0x0;
	s20 =	sshll.u32 s4, $0x1;
	s4 =	sadd.s32 s21, s2  }
0x9d: {  	[timem:s6], [sflag:s22] =	dma.local [hbm:s4], s20  }
0x9e: {  	_ =	swait.ge [sflag:s22], s20  }
0x9f: {  	s3 =	ssub.s32 $0x0, s20;
	[sflag:s22] =	ssyncset.done $0x0  }
0xa0: {  	[sflag:s22] =	ssyncadd.s32 s3;
	_ =	sdelay $0x1  }
0xa1: {  	s23 =	simm.s32 $0x1B8B  }
0xa2: {  	_ =	swait.ge [sflag:s23], $0x1  }
0xa3: {  	[sflag:s23] =	ssyncset.done $0x0  }
0xa4: {  	s25 =	simm.s32 $0x1B8E;
	s24 =	sld [smem:$0x3FFE];
	[sflag:s23] =	ssyncadd.s32 $0xFFFFFFFF  }
0xa5: {  	s26 =	simm.s32 $execute0_lowered;
	[smem:$0x3FD2] =	sst s25  }
0xa6: {  	s4 =	sshll.u32 s26, $0x1;
	_ =	strace $0x80000049;
	[dreg:$0x1] =	wrdreg $0xFFFFFFFF  }
0xa7: {  	s28 =	simm.s32 $_size_execute0_lowered;
	s2 =	sadd.s32 s2, s4;
	[dreg:$0x0] =	wrdreg $0x0  }
0xa8: {  	s4 =	sshll.u32 s28, $0x1;
	[dreg:$0x2] =	wrdreg s2  }
0xa9: {  	[dreg:$0x3] =	wrdreg s4  }
0xaa: {  	[dreg:$0x4] =	wrdreg $0xC0  }
0xab: {  	_ =	task [dreg:s6], $0x5FFFF  }
0xac: {  	[dreg:$0x1] =	wrdreg $0xFFFFFFFF  }
0xad: {  	[dreg:$0x0] =	wrdreg $0x60  }
0xae: {  	[dreg:$0x2] =	wrdreg s24  }
0xaf: {  	[dreg:$0x3] =	wrdreg $0x90000  }
0xb0: {  	[dreg:$0x4] =	wrdreg $0x9  }
0xb1: {  	_ =	task.clear_ibuf [dreg:s6], $0x5FFFF;
	_ =	strace $0x90000049  }
0xb2: {  	s29 =	simm.s32 $0x9;
	_ =	strace $0x8000004B  }
0xb3: {  	_ =	swait.ge [sflag:s29], $0x1  }
0xb4: {  	[sflag:s29] =	ssyncadd.s32 $0xFFFFFFFF  }
0xb5: {  	_ =	strace $0x9000004B  }
0xb6: {  	_ =	sfence  }
0xb7: {  	s30 =	sld [smem:$0x0];
	_ =	sdelay $0x2  }
0xb8: {  	s31 =	sshll.u32 s1, $0xD;
	s1 =	sshrl.u32 s1, $0x2  }
0xb9: {  	s3 =	sand.u32 $0x4000, s31;
	s1 =	sadd.s32 s1, s30  }
0xba: {  	s0 =	sor.u32 s3, s0;
	s1 =	sshll.u32 s1, $0x11  }
0xbb: {  	s0 =	sor.u32 s1, s0  }
0xbc: {  	s0 =	sadd.s32 $0x8F2B, s0  }
0xbd: {  	[sflag:s0] =	ssyncadd.remote.s32 $0x1  }
0xbe: {  	_ =	sfence.sel $0xFFFF  }
0xbf: {  	[dreg:$0x0] =	wrdreg $0xFFFFFFFF;
	(pc) =	sbr.abs _section_cstart, $3  }
0xc0: {  	[dreg:$0x1] =	wrdreg $0xFFFFFFFF  }
0xc1: {  	_ =	task.clear_ibuf [dreg:s6], $0x2FFFF;
	_ =	strace $0x9FFFFFFF  }
0xc2: {  	(tm) =	ssettm $0x7FFFFFFF  }
0xc3: {  	_ =	shalt  }
tec
execute0_lowered:
.L_overlay_start_1:
0x0: {  	(tag) =	ssettag $0x1  }
0x1: {  	s1 =	srdreg.scid  }
0x2: {  	s0 =	stileid.u32;
	s6 =	rddreg [dreg:$0x0]  }
0x3: {  	s2 =	rddreg [dreg:$0x1];
	s3 =	simm.s32 $0x0;
	s14 =	simm.s32 $0x7000  }
0x4: {  	s15 =	simm.s32 $0x1;
	s16 =	simm.s32 $0x2;
	s17 =	simm.s32 $0x4E40  }
0x5: {  	s18 =	simm.s32 $0x0;
	s5 =	sand.u32 $0x1, s1;
	s28 =	sshll.u32 s0, $0x1  }
0x6: {  	s8 =	smul.u32 $0x14000, s0;
	[smem:$0x7FF] =	sst s3;
	s4 =	sadd.s32 $0x40600, s6  }
0x7: {  	s29 =	smul.u32 $0x50000, s0;
	s12 =	sshll.u32 s0, $0x6;
	s1 =	sor.u32 s5, s28  }
0x8: {  	s9 =	smul.u32 $0x140000, s5;
	s5 =	ssub.s32 $0x2, s5;
	s12 =	sor.u32 $0x1C03, s12  }
0x9: {  	s7 =	smul.u32 $0xA00, s1;
	s1 =	rddreg [dreg:$0x2];
	_ =	strace $0x8000004A  }
0xa: {  	s10 =	sshrl.u32 s8, $0x3;
	s30 =	sshrl.u32 s5, $0x1;
	s31 =	sshrl.u32 s29, $0x2  }
0xb: {  	s8 =	sadd.s32 s8, s9;
	s10 =	sadd.s32 s10, s6;
	s11 =	ssub.s32 s5, s30  }
0xc: {  	s13 =	sadd.s32 s31, s2;
	s9 =	simm.s32 $0x3;
	s8 =	sshrl.u32 s8, $0x3  }
0xd: {  	s7 =	sadd.s32 s7, s6;
	s13 =	sshrl.u32 s13, $0x3;
	s8 =	sadd.s32 s8, s6  }
0xe: {  	s5 =	sadd.s32 $0x4600, s7;
	s6 =	sadd.s32 $0x18600, s10;
	s10 =	simm.s32 $0x40  }
0xf: {  	s7 =	sadd.s32 $0x67800, s8;
	s8 =	smax.u32 s11, $0x1;
	s11 =	simm.s32 $0x5000  }
.LBB2_1:
0x10: {  	[tilespmem:s3], [sflag:$0x3] =	stream.linear.gather [hbm4b:s5+s3], $0x4E80, $0x38;
	[tilespmem:$0x1D000] =	vst v63  }
0x11: {  	_ =	swait.ge [sflag:s9], $0x4E80  }
0x12: {  	[sflag:s9] =	ssyncset.done $0x0  }
0x13: {  	[sflag:s9] =	ssyncadd.s32 $0xFFFFB180  }
0x14: {  	[tilespmem:s11], [sflag:$0x1] =	stream.indirect.gather [hbm4b:s4+s10], $0x80, s3, s10, $0xb8;
	[tilespmem:$0x1D000] =	vst v63  }
0x15: {  	[spmem:s13], [sflag:s12] =	dma.local [hbm:s6], $0x2800  }
0x16: {  	_ =	swait.ge [sflag:s9], $0x2800  }
0x17: {  	[sflag:s9] =	ssyncset.done $0x0  }
0x18: {  	[sflag:s9] =	ssyncadd.s32 $0xFFFFD800  }
0x19: {  	s19 =	simm.s32 $0x80;
	[bflag:$0x0] =	sbarrier.arrive $0xFFFF  }
0x1a: {  	[tilespmem:s14], [sflag:$0x2] =	stream.indirect.gather [hbm4b:s4+s10], $0x80, s19, s10, $0xb8;
	[tilespmem:$0x1D000] =	vst v63  }
0x1b: {  	_ =	swait.ge [sflag:s15], $0x2000  }
0x1c: {  	[sflag:s15] =	ssyncset.done $0x0  }
0x1d: {  	s29 =	simm.s32 $0x40;
	[sflag:s15] =	ssyncadd.s32 $0xFFFFE000  }
0x1e: {  	[spmem:s2] =	stream.indirect.scatter.add.f32 [tilespmem:s11], [sflag:$0x3], $0x80, s29, s10, $0xb8;
	[tilespmem:$0x1D000] =	vst v63  }
0x1f: {  	_ =	swait.ge [sflag:s9], $0x2000  }
0x20: {  	[sflag:s9] =	ssyncset.done $0x0  }
0x21: {  	s30 =	simm.s32 $0x100;
	[sflag:s9] =	ssyncadd.s32 $0xFFFFE000  }
0x22: {  	[tilespmem:s11], [sflag:$0x1] =	stream.indirect.gather [hbm4b:s4+s10], $0x80, s30, s10, $0xb8;
	[tilespmem:$0x1D000] =	vst v63  }
0x23: {  	_ =	swait.ge [sflag:s16], $0x2000  }
0x24: {  	[sflag:s16] =	ssyncset.done $0x0  }
0x25: {  	s31 =	simm.s32 $0xC0;
	[sflag:s16] =	ssyncadd.s32 $0xFFFFE000  }
0x26: {  	[spmem:s2] =	stream.indirect.scatter.add.f32 [tilespmem:s14], [sflag:$0x3], $0x80, s31, s10, $0xb8;
	[tilespmem:$0x1D000] =	vst v63  }
0x27: {  	_ =	swait.ge [sflag:s9], $0x2000  }
0x28: {  	s20 =	simm.s32 $0xFFFED000;
	s19 =	simm.s32 $0xFFFFB300;
	[sflag:s9] =	ssyncset.done $0x0  }
.LBB2_2:
0x29: {  	s21 =	sadd.s32 $0x4E80, s19  }
0x2a: {  	[sflag:s9] =	ssyncadd.s32 $0xFFFFE000;
	s22 =	smov.u32 s20;
	s23 =	sadd.s32 $0x400, s20  }
0x2b: {  	[tilespmem:s14], [sflag:$0x2] =	stream.indirect.gather [hbm4b:s4+s10], $0x80, s21, s10, $0xb8;
	[tilespmem:$0x1D000] =	vst v63  }
0x2c: {  	p0 =	sne.s32 s20, $0xFFFFFC00;
	_ =	swait.ge [sflag:s15], $0x2000  }
0x2d: {  	[sflag:s15] =	ssyncset.done $0x0  }
0x2e: {  	s20 =	sadd.s32 $0x4E40, s19;
	[sflag:s15] =	ssyncadd.s32 $0xFFFFE000  }
0x2f: {  	[spmem:s2] =	stream.indirect.scatter.add.f32 [tilespmem:s11], [sflag:$0x3], $0x80, s20, s10, $0xb8;
	[tilespmem:$0x1D000] =	vst v63  }
0x30: {  	_ =	swait.ge [sflag:s9], $0x2000  }
0x31: {  	[sflag:s9] =	ssyncset.done $0x0  }
0x32: {  	s20 =	sadd.s32 $0x4F00, s19;
	[sflag:s9] =	ssyncadd.s32 $0xFFFFE000  }
0x33: {  	[tilespmem:s11], [sflag:$0x1] =	stream.indirect.gather [hbm4b:s4+s10], $0x80, s20, s10, $0xb8;
	[tilespmem:$0x1D000] =	vst v63  }
0x34: {  	_ =	swait.ge [sflag:s16], $0x2000  }
.Ltmp0:
0x35: {  	[sflag:s16] =	ssyncset.done $0x0;
	(pc) =	sbr.rel @p0 .LBB2_2-.Ltmp0, $4  }
0x36: {  	s19 =	sadd.s32 $0x4EC0, s19;
	[sflag:s16] =	ssyncadd.s32 $0xFFFFE000  }
0x37: {  	[spmem:s2] =	stream.indirect.scatter.add.f32 [tilespmem:s14], [sflag:$0x3], $0x80, s19, s10, $0xb8;
	[tilespmem:$0x1D000] =	vst v63  }
0x38: {  	_ =	swait.ge [sflag:s9], $0x2000  }
0x39: {  	s20 =	smov.u32 s23;
	s19 =	sshra.s32 s22, $0x2;
	[sflag:s9] =	ssyncset.done $0x0  }
0x3a: {  	s20 =	sadd.s32 $0x4E80, s19;
	[sflag:s9] =	ssyncadd.s32 $0xFFFFE000  }
0x3b: {  	[tilespmem:s14], [sflag:$0x2] =	stream.indirect.gather [hbm4b:s4+s10], $0x80, s20, s10, $0xb8;
	[tilespmem:$0x1D000] =	vst v63  }
0x3c: {  	_ =	swait.ge [sflag:s15], $0x2000  }
0x3d: {  	[sflag:s15] =	ssyncset.done $0x0  }
0x3e: {  	s29 =	sadd.s32 $0x4E40, s19;
	[sflag:s15] =	ssyncadd.s32 $0xFFFFE000  }
0x3f: {  	[spmem:s2] =	stream.indirect.scatter.add.f32 [tilespmem:s11], [sflag:$0x3], $0x80, s29, s10, $0xb8;
	[tilespmem:$0x1D000] =	vst v63  }
0x40: {  	_ =	swait.ge [sflag:s9], $0x2000  }
0x41: {  	[sflag:s9] =	ssyncset.done $0x0  }
0x42: {  	s30 =	sadd.s32 $0x4F00, s19;
	[sflag:s9] =	ssyncadd.s32 $0xFFFFE000  }
0x43: {  	[tilespmem:s11], [sflag:$0x1] =	stream.indirect.gather [hbm4b:s4+s10], $0x80, s30, s10, $0xb8;
	[tilespmem:$0x1D000] =	vst v63  }
0x44: {  	_ =	swait.ge [sflag:s16], $0x2000  }
0x45: {  	[sflag:s16] =	ssyncset.done $0x0  }
0x46: {  	s31 =	sadd.s32 $0x4EC0, s19;
	[sflag:s16] =	ssyncadd.s32 $0xFFFFE000  }
0x47: {  	[spmem:s2] =	stream.indirect.scatter.add.f32 [tilespmem:s14], [sflag:$0x3], $0x80, s31, s10, $0xb8;
	[tilespmem:$0x1D000] =	vst v63  }
0x48: {  	_ =	swait.ge [sflag:s9], $0x2000  }
0x49: {  	[sflag:s9] =	ssyncset.done $0x0  }
0x4a: {  	[sflag:s9] =	ssyncadd.s32 $0xFFFFE000  }
0x4b: {  	_ =	swait.ge [sflag:s15], $0x2000  }
0x4c: {  	[sflag:s15] =	ssyncset.done $0x0  }
0x4d: {  	[sflag:s15] =	ssyncadd.s32 $0xFFFFE000  }
0x4e: {  	[spmem:s2] =	stream.indirect.scatter.add.f32 [tilespmem:s11], [sflag:$0x3], $0x80, s17, s10, $0xb8;
	[tilespmem:$0x1D000] =	vst v63  }
0x4f: {  	_ =	swait.ge [sflag:s9], $0x2000  }
0x50: {  	s18 =	sadd.s32 $0x1, s18;
	[sflag:s9] =	ssyncset.done $0x0  }
0x51: {  	p0 =	sne.s32 s18, s8;
	[sflag:s9] =	ssyncadd.s32 $0xFFFFE000  }
.Ltmp1:
0x52: {  	[bflag:$0x0] =	sbarrier.arrive $0xFFFF;
	(pc) =	sbr.rel @p0 .LBB2_1-.Ltmp1, $4  }
0x53: {  	[hbm:s7], [sflag:s12] =	dma.local [spmem:s13], $0x2800  }
0x54: {  	_ =	swait.ge [sflag:s9], $0x2800  }
0x55: {  	[sflag:s9] =	ssyncset.done $0x0  }
0x56: {  	[sflag:s9] =	ssyncadd.s32 $0xFFFFD800  }
0x57: {  	_ =	sfence.sel $0x180000  }
0x58: {  	[bflag:$0x0] =	sbarrier.arrive $0xFFFF  }
0x59: {  	p0 =	sne.s32 s0, $0x0;
	_ =	strace $0x9000004A  }
0x5a: {  	s0 =	sadd.s32 @!p0 $0x100000, s1;
	[bflag:$0x2] =	sbarrier.arrive $0xFFFF  }
0x5b: {  	[sflag:s0] =	ssyncadd.tile.s32 @!p0 $0x1;
	_ =	shalt  }
.Lfunc_end2:
_tile_overlayer_lowered:
.L_overlay_start_2:
0x5c: {  	(tag) =	ssettag $0x2  }
0x5d: {  	s0 =	rddreg [dreg:$0x0];
	s2 =	stileid.u32  }
0x5e: {  	s1 =	rddreg [dreg:$0x1];
	p0 =	sne.s32 s2, $0x0  }
0x5f: {  	s3 =	rddreg [dreg:$0x2];
	[bflag:$0x3] =	sbarrier.arrive $0xFFFF;
	s2 =	simm.s32 @!p0 $0x1C03  }
0x60: {  	[timem:s3], [sflag:s2] =	dma.local @!p0 [hbm:s0], s1  }
0x61: {  	s0 =	simm.s32 @!p0 $0x3  }
0x62: {  	_ =	swait.ge @!p0 [sflag:s0], s1  }
0x63: {  	s1 =	ssub.s32 @!p0 $0x0, s1;
	[sflag:s0] =	ssyncset.done @!p0 $0x0  }
0x64: {  	[sflag:s0] =	ssyncadd.s32 @!p0 s1  }
0x65: {  	[bflag:$0x3] =	sbarrier.arrive $0xFFFF  }
0x66: {  	_ =	shalt  }

// kernel: kernel.16.cloned.1.call-start
scs
__scs_entry_jumppad:
0x0: {  	(pc) =	sbr.rel $0x88, $3  }
0x1: {  	(tag) =	ssettag $0x0;
	lr =	simm.s32 $0x1  }
0x2: {  	[smem:$0x3F92] =	sst lr;
	_ =	strace $0xD0000000  }
0x3: {  	_ = 	snop  }
0x4: {  	_ = 	snop  }
0x5: {  	_ = 	snop  }
0x6: {  	_ = 	snop  }
0x7: {  	_ = 	snop  }
__scs_overlays_trampoline_lowered:
0x8: {  	[smem:$0x3FA1] =	sst s0  }
0x9: {  	[smem:$0x3FA2] =	sst s1  }
0xa: {  	[smem:$0x3FA3] =	sst s2  }
0xb: {  	[smem:$0x3FA4] =	sst s3  }
0xc: {  	[smem:$0x3FA5] =	sst s4  }
0xd: {  	[smem:$0x3FA6] =	sst s5  }
0xe: {  	[smem:$0x3FA7] =	sst s6  }
0xf: {  	[smem:$0x3FA8] =	sst s7  }
0x10: {  	[smem:$0x3FA9] =	sst s8  }
0x11: {  	[smem:$0x3FAA] =	sst s9;
	s0 =	simm.s32 @!p0 $0x0  }
0x12: {  	s1 =	sld [smem:$0x3F90];
	s0 =	simm.s32 @p0 $0x1  }
0x13: {  	[smem:$0x3FAB] =	sst s0;
	s0 =	simm.s32 @!p1 $0x0  }
0x14: {  	s2 =	sld [smem:$0x3F8F];
	s0 =	simm.s32 @p1 $0x1  }
0x15: {  	[smem:$0x3FAC] =	sst s0;
	s0 =	simm.s32 @!p2 $0x0  }
0x16: {  	s3 =	sld [smem:$0x3FDB];
	s0 =	simm.s32 @p2 $0x1  }
0x17: {  	s4 =	simm.s32 $0x1BF5;
	[smem:$0x3FAE] =	sst s0  }
0x18: {  	s0 =	sld [smem:$0x3F91];
	_ =	swait.ge [sflag:s4], $0x0  }
0x19: {  	s7 =	sld [smem:$0x3F92]  }
0x1a: {  	s8 =	sadd.s32 $0xFFFFE003, lr  }
0x1b: {  	s9 =	sadd.s32 $0xFFFFFEF7, lr;
	s5 =	simm.s32 $0xFFFFFFFF;
	p2 =	slt.u32 s8, $0xFFFFF086  }
0x1c: {  	p1 =	slt.u32 s9, $0xF7A;
	s5 =	simm.s32 @!p2 $0x0  }
0x1d: {  	s5 =	simm.s32 @p1 $0x1;
	p0 =	seq.s32 s7, s2  }
0x1e: {  	s7 =	smul.u32 @!p0 $0xF7A, s2;
	p2 =	seq.s32 @!p0 s5, $0x0  }
0x1f: {  	s9 =	smul.u32 $0xF7A, s1;
	s8 =	simm.s32 @!p0 $0x1BF5;
	p2 =	por !p2, p0  }
0x20: {  	[sflag:s8] =	ssyncset.s32 @!p0 $0xFFFFF086;
	s6 =	sadd.s32 @!p0 s3, s7;
	s7 =	simm.s32 @!p0 $0x108  }
0x21: {  	s3 =	sadd.s32 s3, s9;
	s6 =	sadd.s32 @!p0 $0x88, s6;
	s7 =	simm.s32 @p2 $0x1082  }
0x22: {  	[simem:s7], [sflag:s8] =	dma.local @!p0 [hbm:s6], $0xF7A  }
0x23: {  	s9 =	sor.u32 $0xD0000000, s2;
	s6 =	simm.s32 $0x108;
	_ =	swait.ge @!p0 [sflag:s8], $0x0  }
0x24: {  	s3 =	sadd.s32 $0x88, s3;
	s6 =	simm.s32 @!p1 $0x1082;
	[sflag:s4] =	ssyncset.s32 $0xFFFFF086  }
0x25: {  	[simem:s6], [sflag:s4] =	dma.local [hbm:s3], $0xF7A  }
0x26: {  	[smem:$0x3F92] =	sst s1;
	(tag) =	ssettag s2;
	_ =	strace s9  }
0x27: {  	s1 =	sld [smem:$0x3FA2]  }
0x28: {  	s2 =	sld [smem:$0x3FA3]  }
0x29: {  	s4 =	sld [smem:$0x3FA5]  }
0x2a: {  	p0 =	seq.s32 s5, $0x0;
	s5 =	sld [smem:$0x3FA6]  }
0x2b: {  	s6 =	sld [smem:$0x3FA7]  }
0x2c: {  	s7 =	sld [smem:$0x3FA8]  }
0x2d: {  	s3 =	simm.s32 $0x108;
	s8 =	sld [smem:$0x3FA9]  }
0x2e: {  	s3 =	simm.s32 @!p0 $0x1082;
	s9 =	sld [smem:$0x3FAA]  }
0x2f: {  	lr =	sadd.s32 s0, s3;
	s0 =	sld [smem:$0x3FA1]  }
0x30: {  	s3 =	sld [smem:$0x3FA4]  }
0x31: {  	[smem:$0x3FAD] =	sst s10  }
0x32: {  	s10 =	sld [smem:$0x3FAB];
	_ =	sdelay $0x3  }
0x33: {  	p0 =	seq.s32 s10, $0x1;
	s10 =	sld [smem:$0x3FAD];
	_ =	sdelay $0x3  }
0x34: {  	[smem:$0x3FAD] =	sst s10  }
0x35: {  	s10 =	sld [smem:$0x3FAC];
	_ =	sdelay $0x3  }
0x36: {  	p1 =	seq.s32 s10, $0x1;
	s10 =	sld [smem:$0x3FAD];
	_ =	sdelay $0x3  }
0x37: {  	[smem:$0x3FAD] =	sst s10  }
0x38: {  	s10 =	sld [smem:$0x3FAE]  }
0x39: {  	_ = 	snop;
	(pc) =	sbr.ind lr, $3  }
0x3a: {  	_ = 	snop  }
0x3b: {  	_ = 	snop  }
0x3c: {  	p2 =	seq.s32 s10, $0x1;
	s10 =	sld [smem:$0x3FAD]  }
0x3d: {  	_ =	shalt  }
0x3e: {  	_ =	shalt  }
0x3f: {  	_ =	shalt  }
0x40: {  	_ =	shalt  }
0x41: {  	_ =	shalt  }
0x42: {  	_ =	shalt  }
0x43: {  	_ =	shalt  }
0x44: {  	_ =	shalt  }
0x45: {  	_ =	shalt  }
0x46: {  	_ =	shalt  }
0x47: {  	_ =	shalt  }
0x48: {  	_ =	shalt  }
0x49: {  	_ =	shalt  }
0x4a: {  	_ =	shalt  }
0x4b: {  	_ =	shalt  }
0x4c: {  	_ =	shalt  }
0x4d: {  	_ =	shalt  }
0x4e: {  	_ =	shalt  }
0x4f: {  	_ =	shalt  }
0x50: {  	_ =	shalt  }
0x51: {  	_ =	shalt  }
0x52: {  	_ =	shalt  }
0x53: {  	_ =	shalt  }
0x54: {  	_ =	shalt  }
0x55: {  	_ =	shalt  }
0x56: {  	_ =	shalt  }
0x57: {  	_ =	shalt  }
0x58: {  	_ =	shalt  }
0x59: {  	_ =	shalt  }
0x5a: {  	_ =	shalt  }
0x5b: {  	_ =	shalt  }
0x5c: {  	_ =	shalt  }
0x5d: {  	_ =	shalt  }
0x5e: {  	_ =	shalt  }
0x5f: {  	_ =	shalt  }
0x60: {  	_ =	shalt  }
0x61: {  	_ =	shalt  }
0x62: {  	_ =	shalt  }
0x63: {  	_ =	shalt  }
0x64: {  	_ =	shalt  }
0x65: {  	_ =	shalt  }
0x66: {  	_ =	shalt  }
0x67: {  	_ =	shalt  }
0x68: {  	_ =	shalt  }
0x69: {  	_ =	shalt  }
0x6a: {  	_ =	shalt  }
0x6b: {  	_ =	shalt  }
0x6c: {  	_ =	shalt  }
0x6d: {  	_ =	shalt  }
0x6e: {  	_ =	shalt  }
0x6f: {  	_ =	shalt  }
0x70: {  	_ =	shalt  }
0x71: {  	_ =	shalt  }
0x72: {  	_ =	shalt  }
0x73: {  	_ =	shalt  }
0x74: {  	_ =	shalt  }
0x75: {  	_ =	shalt  }
0x76: {  	_ =	shalt  }
0x77: {  	_ =	shalt  }
0x78: {  	_ =	shalt  }
0x79: {  	_ =	shalt  }
0x7a: {  	_ =	shalt  }
0x7b: {  	_ =	shalt  }
0x7c: {  	_ =	shalt  }
0x7d: {  	_ =	shalt  }
0x7e: {  	_ =	shalt  }
0x7f: {  	_ =	shalt  }
0x80: {  	_ =	shalt  }
0x81: {  	_ =	shalt  }
0x82: {  	_ =	shalt  }
0x83: {  	_ =	shalt  }
0x84: {  	_ =	shalt  }
0x85: {  	_ =	shalt  }
0x86: {  	_ =	shalt  }
0x87: {  	_ =	shalt  }
.Lfunc_end0:
.L_simem_size_0:
called_computation.2_lowered:
.L_overlay_start_0:
0x88: {  	s2 =	sld [smem:$0x3FD9]  }
0x89: {  	s3 =	sld [smem:$0x3FFE];
	_ =	sdelay $0x1  }
0x8a: {  	s1 =	srdreg.scid  }
0x8b: {  	s0 =	sand.u32 $0x1, s1  }
0x8c: {  	s16 =	sshll.u32 s0, $0xA;
	s2 =	sadd.s32 s3, s2  }
0x8d: {  	s2 =	sadd.s32 s2, s16  }
0x8e: {  	[smem:$0x3FB9] =	sst s2  }
0x8f: {  	_ = 	snop  }
0x90: {  	(tm) =	ssettm $0x1  }
0x91: {  	s17 =	sld [smem:$0x3FFB];
	_ =	sdelay $0x3  }
0x92: {  	_ =	strace s17  }
0x93: {  	s2 =	sld [smem:$0x3FFC];
	_ =	sdelay $0x3  }
0x94: {  	_ =	strace s2  }
0x95: {  	s2 =	sld [smem:$0x3FFD];
	_ =	sdelay $0x3  }
0x96: {  	_ =	strace s2  }
0x97: {  	_ =	strace $0x8FFFFFFF  }
0x98: {  	s18 =	sld [smem:$0x3FDB];
	_ =	sdelay $0x1  }
0x99: {  	s19 =	simm.s32 $_scs_section_size  }
0x9a: {  	s4 =	simm.s32 $_size__tile_overlayer_lowered;
	s5 =	simm.s32 $_tile_overlayer_lowered  }
0x9b: {  	s22 =	simm.s32 $0x1BFF;
	s21 =	sshll.u32 s5, $0x1;
	s2 =	sadd.s32 s19, s18  }
0x9c: {  	s6 =	simm.s32 $0x0;
	s20 =	sshll.u32 s4, $0x1;
	s4 =	sadd.s32 s21, s2  }
0x9d: {  	[timem:s6], [sflag:s22] =	dma.local [hbm:s4], s20  }
0x9e: {  	_ =	swait.ge [sflag:s22], s20  }
0x9f: {  	s3 =	ssub.s32 $0x0, s20;
	[sflag:s22] =	ssyncset.done $0x0  }
0xa0: {  	[sflag:s22] =	ssyncadd.s32 s3;
	_ =	sdelay $0x1  }
0xa1: {  	s23 =	simm.s32 $0x1B8B  }
0xa2: {  	_ =	swait.ge [sflag:s23], $0x1  }
0xa3: {  	[sflag:s23] =	ssyncset.done $0x0  }
0xa4: {  	s25 =	simm.s32 $0x1B8E;
	s24 =	sld [smem:$0x3FFE];
	[sflag:s23] =	ssyncadd.s32 $0xFFFFFFFF  }
0xa5: {  	s26 =	simm.s32 $execute0_lowered;
	[smem:$0x3FD2] =	sst s25  }
0xa6: {  	s4 =	sshll.u32 s26, $0x1;
	_ =	strace $0x8000004C;
	[dreg:$0x1] =	wrdreg $0xFFFFFFFF  }
0xa7: {  	s28 =	simm.s32 $_size_execute0_lowered;
	s2 =	sadd.s32 s2, s4;
	[dreg:$0x0] =	wrdreg $0x0  }
0xa8: {  	s4 =	sshll.u32 s28, $0x1;
	[dreg:$0x2] =	wrdreg s2  }
0xa9: {  	[dreg:$0x3] =	wrdreg s4  }
0xaa: {  	[dreg:$0x4] =	wrdreg $0xC0  }
0xab: {  	_ =	task [dreg:s6], $0x5FFFF  }
0xac: {  	[dreg:$0x1] =	wrdreg $0xFFFFFFFF  }
0xad: {  	[dreg:$0x0] =	wrdreg $0x60  }
0xae: {  	[dreg:$0x2] =	wrdreg s24  }
0xaf: {  	[dreg:$0x3] =	wrdreg $0x90000  }
0xb0: {  	[dreg:$0x4] =	wrdreg $0x9  }
0xb1: {  	_ =	task.clear_ibuf [dreg:s6], $0x5FFFF;
	_ =	strace $0x9000004C  }
0xb2: {  	s29 =	simm.s32 $0x9;
	_ =	strace $0x8000004E  }
0xb3: {  	_ =	swait.ge [sflag:s29], $0x1  }
0xb4: {  	[sflag:s29] =	ssyncadd.s32 $0xFFFFFFFF  }
0xb5: {  	_ =	strace $0x9000004E  }
0xb6: {  	_ =	sfence  }
0xb7: {  	s30 =	sld [smem:$0x0];
	_ =	sdelay $0x2  }
0xb8: {  	s31 =	sshll.u32 s1, $0xD;
	s1 =	sshrl.u32 s1, $0x2  }
0xb9: {  	s3 =	sand.u32 $0x4000, s31;
	s1 =	sadd.s32 s1, s30  }
0xba: {  	s0 =	sor.u32 s3, s0;
	s1 =	sshll.u32 s1, $0x11  }
0xbb: {  	s0 =	sor.u32 s1, s0  }
0xbc: {  	s0 =	sadd.s32 $0x8F2B, s0  }
0xbd: {  	[sflag:s0] =	ssyncadd.remote.s32 $0x1  }
0xbe: {  	_ =	sfence.sel $0xFFFF  }
0xbf: {  	[dreg:$0x0] =	wrdreg $0xFFFFFFFF;
	(pc) =	sbr.abs _section_cstart, $3  }
0xc0: {  	[dreg:$0x1] =	wrdreg $0xFFFFFFFF  }
0xc1: {  	_ =	task.clear_ibuf [dreg:s6], $0x2FFFF;
	_ =	strace $0x9FFFFFFF  }
0xc2: {  	(tm) =	ssettm $0x7FFFFFFF  }
0xc3: {  	_ =	shalt  }
tec
execute0_lowered:
.L_overlay_start_1:
0x0: {  	(tag) =	ssettag $0x1  }
0x1: {  	s1 =	srdreg.scid  }
0x2: {  	s0 =	stileid.u32;
	s6 =	rddreg [dreg:$0x0]  }
0x3: {  	s2 =	rddreg [dreg:$0x1];
	s3 =	simm.s32 $0x0;
	s14 =	simm.s32 $0x7000  }
0x4: {  	s15 =	simm.s32 $0x1;
	s16 =	simm.s32 $0x2;
	s17 =	simm.s32 $0x4E40  }
0x5: {  	s18 =	simm.s32 $0x0;
	s5 =	sand.u32 $0x1, s1;
	s28 =	sshll.u32 s0, $0x1  }
0x6: {  	s8 =	smul.u32 $0x14000, s0;
	[smem:$0x7FF] =	sst s3;
	s4 =	sadd.s32 $0x40600, s6  }
0x7: {  	s29 =	smul.u32 $0x50000, s0;
	s12 =	sshll.u32 s0, $0x6;
	s1 =	sor.u32 s5, s28  }
0x8: {  	s9 =	smul.u32 $0x140000, s5;
	s5 =	ssub.s32 $0x2, s5;
	s12 =	sor.u32 $0x1C03, s12  }
0x9: {  	s7 =	smul.u32 $0xA00, s1;
	s1 =	rddreg [dreg:$0x2];
	_ =	strace $0x8000004D  }
0xa: {  	s10 =	sshrl.u32 s8, $0x3;
	s30 =	sshrl.u32 s5, $0x1;
	s31 =	sshrl.u32 s29, $0x2  }
0xb: {  	s8 =	sadd.s32 s8, s9;
	s10 =	sadd.s32 s10, s6;
	s11 =	ssub.s32 s5, s30  }
0xc: {  	s13 =	sadd.s32 s31, s2;
	s9 =	simm.s32 $0x3;
	s8 =	sshrl.u32 s8, $0x3  }
0xd: {  	s7 =	sadd.s32 s7, s6;
	s13 =	sshrl.u32 s13, $0x3;
	s8 =	sadd.s32 s8, s6  }
0xe: {  	s5 =	sadd.s32 $0x4600, s7;
	s6 =	sadd.s32 $0x18600, s10;
	s10 =	simm.s32 $0x40  }
0xf: {  	s7 =	sadd.s32 $0x67800, s8;
	s8 =	smax.u32 s11, $0x1;
	s11 =	simm.s32 $0x5000  }
.LBB2_1:
0x10: {  	[tilespmem:s3], [sflag:$0x3] =	stream.linear.gather [hbm4b:s5+s3], $0x4E80, $0x38;
	[tilespmem:$0x1D000] =	vst v63  }
0x11: {  	_ =	swait.ge [sflag:s9], $0x4E80  }
0x12: {  	[sflag:s9] =	ssyncset.done $0x0  }
0x13: {  	[sflag:s9] =	ssyncadd.s32 $0xFFFFB180  }
0x14: {  	[tilespmem:s11], [sflag:$0x1] =	stream.indirect.gather [hbm4b:s4+s10], $0x80, s3, s10, $0xb8;
	[tilespmem:$0x1D000] =	vst v63  }
0x15: {  	[spmem:s13], [sflag:s12] =	dma.local [hbm:s6], $0x2800  }
0x16: {  	_ =	swait.ge [sflag:s9], $0x2800  }
0x17: {  	[sflag:s9] =	ssyncset.done $0x0  }
0x18: {  	[sflag:s9] =	ssyncadd.s32 $0xFFFFD800  }
0x19: {  	s19 =	simm.s32 $0x80;
	[bflag:$0x0] =	sbarrier.arrive $0xFFFF  }
0x1a: {  	[tilespmem:s14], [sflag:$0x2] =	stream.indirect.gather [hbm4b:s4+s10], $0x80, s19, s10, $0xb8;
	[tilespmem:$0x1D000] =	vst v63  }
0x1b: {  	_ =	swait.ge [sflag:s15], $0x2000  }
0x1c: {  	[sflag:s15] =	ssyncset.done $0x0  }
0x1d: {  	s29 =	simm.s32 $0x40;
	[sflag:s15] =	ssyncadd.s32 $0xFFFFE000  }
0x1e: {  	[spmem:s2] =	stream.indirect.scatter.add.f32 [tilespmem:s11], [sflag:$0x3], $0x80, s29, s10, $0xb8;
	[tilespmem:$0x1D000] =	vst v63  }
0x1f: {  	_ =	swait.ge [sflag:s9], $0x2000  }
0x20: {  	[sflag:s9] =	ssyncset.done $0x0  }
0x21: {  	s30 =	simm.s32 $0x100;
	[sflag:s9] =	ssyncadd.s32 $0xFFFFE000  }
0x22: {  	[tilespmem:s11], [sflag:$0x1] =	stream.indirect.gather [hbm4b:s4+s10], $0x80, s30, s10, $0xb8;
	[tilespmem:$0x1D000] =	vst v63  }
0x23: {  	_ =	swait.ge [sflag:s16], $0x2000  }
0x24: {  	[sflag:s16] =	ssyncset.done $0x0  }
0x25: {  	s31 =	simm.s32 $0xC0;
	[sflag:s16] =	ssyncadd.s32 $0xFFFFE000  }
0x26: {  	[spmem:s2] =	stream.indirect.scatter.add.f32 [tilespmem:s14], [sflag:$0x3], $0x80, s31, s10, $0xb8;
	[tilespmem:$0x1D000] =	vst v63  }
0x27: {  	_ =	swait.ge [sflag:s9], $0x2000  }
0x28: {  	s20 =	simm.s32 $0xFFFED000;
	s19 =	simm.s32 $0xFFFFB300;
	[sflag:s9] =	ssyncset.done $0x0  }
.LBB2_2:
0x29: {  	s21 =	sadd.s32 $0x4E80, s19  }
0x2a: {  	[sflag:s9] =	ssyncadd.s32 $0xFFFFE000;
	s22 =	smov.u32 s20;
	s23 =	sadd.s32 $0x400, s20  }
0x2b: {  	[tilespmem:s14], [sflag:$0x2] =	stream.indirect.gather [hbm4b:s4+s10], $0x80, s21, s10, $0xb8;
	[tilespmem:$0x1D000] =	vst v63  }
0x2c: {  	p0 =	sne.s32 s20, $0xFFFFFC00;
	_ =	swait.ge [sflag:s15], $0x2000  }
0x2d: {  	[sflag:s15] =	ssyncset.done $0x0  }
0x2e: {  	s20 =	sadd.s32 $0x4E40, s19;
	[sflag:s15] =	ssyncadd.s32 $0xFFFFE000  }
0x2f: {  	[spmem:s2] =	stream.indirect.scatter.add.f32 [tilespmem:s11], [sflag:$0x3], $0x80, s20, s10, $0xb8;
	[tilespmem:$0x1D000] =	vst v63  }
0x30: {  	_ =	swait.ge [sflag:s9], $0x2000  }
0x31: {  	[sflag:s9] =	ssyncset.done $0x0  }
0x32: {  	s20 =	sadd.s32 $0x4F00, s19;
	[sflag:s9] =	ssyncadd.s32 $0xFFFFE000  }
0x33: {  	[tilespmem:s11], [sflag:$0x1] =	stream.indirect.gather [hbm4b:s4+s10], $0x80, s20, s10, $0xb8;
	[tilespmem:$0x1D000] =	vst v63  }
0x34: {  	_ =	swait.ge [sflag:s16], $0x2000  }
.Ltmp0:
0x35: {  	[sflag:s16] =	ssyncset.done $0x0;
	(pc) =	sbr.rel @p0 .LBB2_2-.Ltmp0, $4  }
0x36: {  	s19 =	sadd.s32 $0x4EC0, s19;
	[sflag:s16] =	ssyncadd.s32 $0xFFFFE000  }
0x37: {  	[spmem:s2] =	stream.indirect.scatter.add.f32 [tilespmem:s14], [sflag:$0x3], $0x80, s19, s10, $0xb8;
	[tilespmem:$0x1D000] =	vst v63  }
0x38: {  	_ =	swait.ge [sflag:s9], $0x2000  }
0x39: {  	s20 =	smov.u32 s23;
	s19 =	sshra.s32 s22, $0x2;
	[sflag:s9] =	ssyncset.done $0x0  }
0x3a: {  	s20 =	sadd.s32 $0x4E80, s19;
	[sflag:s9] =	ssyncadd.s32 $0xFFFFE000  }
0x3b: {  	[tilespmem:s14], [sflag:$0x2] =	stream.indirect.gather [hbm4b:s4+s10], $0x80, s20, s10, $0xb8;
	[tilespmem:$0x1D000] =	vst v63  }
0x3c: {  	_ =	swait.ge [sflag:s15], $0x2000  }
0x3d: {  	[sflag:s15] =	ssyncset.done $0x0  }
0x3e: {  	s29 =	sadd.s32 $0x4E40, s19;
	[sflag:s15] =	ssyncadd.s32 $0xFFFFE000  }
0x3f: {  	[spmem:s2] =	stream.indirect.scatter.add.f32 [tilespmem:s11], [sflag:$0x3], $0x80, s29, s10, $0xb8;
	[tilespmem:$0x1D000] =	vst v63  }
0x40: {  	_ =	swait.ge [sflag:s9], $0x2000  }
0x41: {  	[sflag:s9] =	ssyncset.done $0x0  }
0x42: {  	s30 =	sadd.s32 $0x4F00, s19;
	[sflag:s9] =	ssyncadd.s32 $0xFFFFE000  }
0x43: {  	[tilespmem:s11], [sflag:$0x1] =	stream.indirect.gather [hbm4b:s4+s10], $0x80, s30, s10, $0xb8;
	[tilespmem:$0x1D000] =	vst v63  }
0x44: {  	_ =	swait.ge [sflag:s16], $0x2000  }
0x45: {  	[sflag:s16] =	ssyncset.done $0x0  }
0x46: {  	s31 =	sadd.s32 $0x4EC0, s19;
	[sflag:s16] =	ssyncadd.s32 $0xFFFFE000  }
0x47: {  	[spmem:s2] =	stream.indirect.scatter.add.f32 [tilespmem:s14], [sflag:$0x3], $0x80, s31, s10, $0xb8;
	[tilespmem:$0x1D000] =	vst v63  }
0x48: {  	_ =	swait.ge [sflag:s9], $0x2000  }
0x49: {  	[sflag:s9] =	ssyncset.done $0x0  }
0x4a: {  	[sflag:s9] =	ssyncadd.s32 $0xFFFFE000  }
0x4b: {  	_ =	swait.ge [sflag:s15], $0x2000  }
0x4c: {  	[sflag:s15] =	ssyncset.done $0x0  }
0x4d: {  	[sflag:s15] =	ssyncadd.s32 $0xFFFFE000  }
0x4e: {  	[spmem:s2] =	stream.indirect.scatter.add.f32 [tilespmem:s11], [sflag:$0x3], $0x80, s17, s10, $0xb8;
	[tilespmem:$0x1D000] =	vst v63  }
0x4f: {  	_ =	swait.ge [sflag:s9], $0x2000  }
0x50: {  	s18 =	sadd.s32 $0x1, s18;
	[sflag:s9] =	ssyncset.done $0x0  }
0x51: {  	p0 =	sne.s32 s18, s8;
	[sflag:s9] =	ssyncadd.s32 $0xFFFFE000  }
.Ltmp1:
0x52: {  	[bflag:$0x0] =	sbarrier.arrive $0xFFFF;
	(pc) =	sbr.rel @p0 .LBB2_1-.Ltmp1, $4  }
0x53: {  	[hbm:s7], [sflag:s12] =	dma.local [spmem:s13], $0x2800  }
0x54: {  	_ =	swait.ge [sflag:s9], $0x2800  }
0x55: {  	[sflag:s9] =	ssyncset.done $0x0  }
0x56: {  	[sflag:s9] =	ssyncadd.s32 $0xFFFFD800  }
0x57: {  	_ =	sfence.sel $0x180000  }
0x58: {  	[bflag:$0x0] =	sbarrier.arrive $0xFFFF  }
0x59: {  	p0 =	sne.s32 s0, $0x0;
	_ =	strace $0x9000004D  }
0x5a: {  	s0 =	sadd.s32 @!p0 $0x100000, s1;
	[bflag:$0x2] =	sbarrier.arrive $0xFFFF  }
0x5b: {  	[sflag:s0] =	ssyncadd.tile.s32 @!p0 $0x1;
	_ =	shalt  }
.Lfunc_end2:
_tile_overlayer_lowered:
.L_overlay_start_2:
0x5c: {  	(tag) =	ssettag $0x2  }
0x5d: {  	s0 =	rddreg [dreg:$0x0];
	s2 =	stileid.u32  }
0x5e: {  	s1 =	rddreg [dreg:$0x1];
	p0 =	sne.s32 s2, $0x0  }
0x5f: {  	s3 =	rddreg [dreg:$0x2];
	[bflag:$0x3] =	sbarrier.arrive $0xFFFF;
	s2 =	simm.s32 @!p0 $0x1C03  }
0x60: {  	[timem:s3], [sflag:s2] =	dma.local @!p0 [hbm:s0], s1  }
0x61: {  	s0 =	simm.s32 @!p0 $0x3  }
0x62: {  	_ =	swait.ge @!p0 [sflag:s0], s1  }
0x63: {  	s1 =	ssub.s32 @!p0 $0x0, s1;
	[sflag:s0] =	ssyncset.done @!p0 $0x0  }
0x64: {  	[sflag:s0] =	ssyncadd.s32 @!p0 s1  }
0x65: {  	[bflag:$0x3] =	sbarrier.arrive $0xFFFF  }
0x66: {  	_ =	shalt  }

// kernel: kernel.19.cloned.1.call-start
scs
__scs_entry_jumppad:
0x0: {  	(pc) =	sbr.rel $0x88, $3  }
0x1: {  	(tag) =	ssettag $0x0;
	lr =	simm.s32 $0x1  }
0x2: {  	[smem:$0x3F92] =	sst lr;
	_ =	strace $0xD0000000  }
0x3: {  	_ = 	snop  }
0x4: {  	_ = 	snop  }
0x5: {  	_ = 	snop  }
0x6: {  	_ = 	snop  }
0x7: {  	_ = 	snop  }
__scs_overlays_trampoline_lowered:
0x8: {  	[smem:$0x3FA1] =	sst s0  }
0x9: {  	[smem:$0x3FA2] =	sst s1  }
0xa: {  	[smem:$0x3FA3] =	sst s2  }
0xb: {  	[smem:$0x3FA4] =	sst s3  }
0xc: {  	[smem:$0x3FA5] =	sst s4  }
0xd: {  	[smem:$0x3FA6] =	sst s5  }
0xe: {  	[smem:$0x3FA7] =	sst s6  }
0xf: {  	[smem:$0x3FA8] =	sst s7  }
0x10: {  	[smem:$0x3FA9] =	sst s8  }
0x11: {  	[smem:$0x3FAA] =	sst s9;
	s0 =	simm.s32 @!p0 $0x0  }
0x12: {  	s1 =	sld [smem:$0x3F90];
	s0 =	simm.s32 @p0 $0x1  }
0x13: {  	[smem:$0x3FAB] =	sst s0;
	s0 =	simm.s32 @!p1 $0x0  }
0x14: {  	s2 =	sld [smem:$0x3F8F];
	s0 =	simm.s32 @p1 $0x1  }
0x15: {  	[smem:$0x3FAC] =	sst s0;
	s0 =	simm.s32 @!p2 $0x0  }
0x16: {  	s3 =	sld [smem:$0x3FDB];
	s0 =	simm.s32 @p2 $0x1  }
0x17: {  	s4 =	simm.s32 $0x1BF5;
	[smem:$0x3FAE] =	sst s0  }
0x18: {  	s0 =	sld [smem:$0x3F91];
	_ =	swait.ge [sflag:s4], $0x0  }
0x19: {  	s7 =	sld [smem:$0x3F92]  }
0x1a: {  	s8 =	sadd.s32 $0xFFFFE003, lr  }
0x1b: {  	s9 =	sadd.s32 $0xFFFFFEF7, lr;
	s5 =	simm.s32 $0xFFFFFFFF;
	p2 =	slt.u32 s8, $0xFFFFF086  }
0x1c: {  	p1 =	slt.u32 s9, $0xF7A;
	s5 =	simm.s32 @!p2 $0x0  }
0x1d: {  	s5 =	simm.s32 @p1 $0x1;
	p0 =	seq.s32 s7, s2  }
0x1e: {  	s7 =	smul.u32 @!p0 $0xF7A, s2;
	p2 =	seq.s32 @!p0 s5, $0x0  }
0x1f: {  	s9 =	smul.u32 $0xF7A, s1;
	s8 =	simm.s32 @!p0 $0x1BF5;
	p2 =	por !p2, p0  }
0x20: {  	[sflag:s8] =	ssyncset.s32 @!p0 $0xFFFFF086;
	s6 =	sadd.s32 @!p0 s3, s7;
	s7 =	simm.s32 @!p0 $0x108  }
0x21: {  	s3 =	sadd.s32 s3, s9;
	s6 =	sadd.s32 @!p0 $0x88, s6;
	s7 =	simm.s32 @p2 $0x1082  }
0x22: {  	[simem:s7], [sflag:s8] =	dma.local @!p0 [hbm:s6], $0xF7A  }
0x23: {  	s9 =	sor.u32 $0xD0000000, s2;
	s6 =	simm.s32 $0x108;
	_ =	swait.ge @!p0 [sflag:s8], $0x0  }
0x24: {  	s3 =	sadd.s32 $0x88, s3;
	s6 =	simm.s32 @!p1 $0x1082;
	[sflag:s4] =	ssyncset.s32 $0xFFFFF086  }
0x25: {  	[simem:s6], [sflag:s4] =	dma.local [hbm:s3], $0xF7A  }
0x26: {  	[smem:$0x3F92] =	sst s1;
	(tag) =	ssettag s2;
	_ =	strace s9  }
0x27: {  	s1 =	sld [smem:$0x3FA2]  }
0x28: {  	s2 =	sld [smem:$0x3FA3]  }
0x29: {  	s4 =	sld [smem:$0x3FA5]  }
0x2a: {  	p0 =	seq.s32 s5, $0x0;
	s5 =	sld [smem:$0x3FA6]  }
0x2b: {  	s6 =	sld [smem:$0x3FA7]  }
0x2c: {  	s7 =	sld [smem:$0x3FA8]  }
0x2d: {  	s3 =	simm.s32 $0x108;
	s8 =	sld [smem:$0x3FA9]  }
0x2e: {  	s3 =	simm.s32 @!p0 $0x1082;
	s9 =	sld [smem:$0x3FAA]  }
0x2f: {  	lr =	sadd.s32 s0, s3;
	s0 =	sld [smem:$0x3FA1]  }
0x30: {  	s3 =	sld [smem:$0x3FA4]  }
0x31: {  	[smem:$0x3FAD] =	sst s10  }
0x32: {  	s10 =	sld [smem:$0x3FAB];
	_ =	sdelay $0x3  }
0x33: {  	p0 =	seq.s32 s10, $0x1;
	s10 =	sld [smem:$0x3FAD];
	_ =	sdelay $0x3  }
0x34: {  	[smem:$0x3FAD] =	sst s10  }
0x35: {  	s10 =	sld [smem:$0x3FAC];
	_ =	sdelay $0x3  }
0x36: {  	p1 =	seq.s32 s10, $0x1;
	s10 =	sld [smem:$0x3FAD];
	_ =	sdelay $0x3  }
0x37: {  	[smem:$0x3FAD] =	sst s10  }
0x38: {  	s10 =	sld [smem:$0x3FAE]  }
0x39: {  	_ = 	snop;
	(pc) =	sbr.ind lr, $3  }
0x3a: {  	_ = 	snop  }
0x3b: {  	_ = 	snop  }
0x3c: {  	p2 =	seq.s32 s10, $0x1;
	s10 =	sld [smem:$0x3FAD]  }
0x3d: {  	_ =	shalt  }
0x3e: {  	_ =	shalt  }
0x3f: {  	_ =	shalt  }
0x40: {  	_ =	shalt  }
0x41: {  	_ =	shalt  }
0x42: {  	_ =	shalt  }
0x43: {  	_ =	shalt  }
0x44: {  	_ =	shalt  }
0x45: {  	_ =	shalt  }
0x46: {  	_ =	shalt  }
0x47: {  	_ =	shalt  }
0x48: {  	_ =	shalt  }
0x49: {  	_ =	shalt  }
0x4a: {  	_ =	shalt  }
0x4b: {  	_ =	shalt  }
0x4c: {  	_ =	shalt  }
0x4d: {  	_ =	shalt  }
0x4e: {  	_ =	shalt  }
0x4f: {  	_ =	shalt  }
0x50: {  	_ =	shalt  }
0x51: {  	_ =	shalt  }
0x52: {  	_ =	shalt  }
0x53: {  	_ =	shalt  }
0x54: {  	_ =	shalt  }
0x55: {  	_ =	shalt  }
0x56: {  	_ =	shalt  }
0x57: {  	_ =	shalt  }
0x58: {  	_ =	shalt  }
0x59: {  	_ =	shalt  }
0x5a: {  	_ =	shalt  }
0x5b: {  	_ =	shalt  }
0x5c: {  	_ =	shalt  }
0x5d: {  	_ =	shalt  }
0x5e: {  	_ =	shalt  }
0x5f: {  	_ =	shalt  }
0x60: {  	_ =	shalt  }
0x61: {  	_ =	shalt  }
0x62: {  	_ =	shalt  }
0x63: {  	_ =	shalt  }
0x64: {  	_ =	shalt  }
0x65: {  	_ =	shalt  }
0x66: {  	_ =	shalt  }
0x67: {  	_ =	shalt  }
0x68: {  	_ =	shalt  }
0x69: {  	_ =	shalt  }
0x6a: {  	_ =	shalt  }
0x6b: {  	_ =	shalt  }
0x6c: {  	_ =	shalt  }
0x6d: {  	_ =	shalt  }
0x6e: {  	_ =	shalt  }
0x6f: {  	_ =	shalt  }
0x70: {  	_ =	shalt  }
0x71: {  	_ =	shalt  }
0x72: {  	_ =	shalt  }
0x73: {  	_ =	shalt  }
0x74: {  	_ =	shalt  }
0x75: {  	_ =	shalt  }
0x76: {  	_ =	shalt  }
0x77: {  	_ =	shalt  }
0x78: {  	_ =	shalt  }
0x79: {  	_ =	shalt  }
0x7a: {  	_ =	shalt  }
0x7b: {  	_ =	shalt  }
0x7c: {  	_ =	shalt  }
0x7d: {  	_ =	shalt  }
0x7e: {  	_ =	shalt  }
0x7f: {  	_ =	shalt  }
0x80: {  	_ =	shalt  }
0x81: {  	_ =	shalt  }
0x82: {  	_ =	shalt  }
0x83: {  	_ =	shalt  }
0x84: {  	_ =	shalt  }
0x85: {  	_ =	shalt  }
0x86: {  	_ =	shalt  }
0x87: {  	_ =	shalt  }
.Lfunc_end0:
.L_simem_size_0:
called_computation.3_lowered:
.L_overlay_start_0:
0x88: {  	s2 =	sld [smem:$0x3FD9]  }
0x89: {  	s3 =	sld [smem:$0x3FFE];
	_ =	sdelay $0x1  }
0x8a: {  	s1 =	srdreg.scid  }
0x8b: {  	s0 =	sand.u32 $0x1, s1  }
0x8c: {  	s16 =	sshll.u32 s0, $0xA;
	s2 =	sadd.s32 s3, s2  }
0x8d: {  	s2 =	sadd.s32 s2, s16  }
0x8e: {  	[smem:$0x3FB9] =	sst s2  }
0x8f: {  	_ = 	snop  }
0x90: {  	(tm) =	ssettm $0x1  }
0x91: {  	s17 =	sld [smem:$0x3FFB];
	_ =	sdelay $0x3  }
0x92: {  	_ =	strace s17  }
0x93: {  	s2 =	sld [smem:$0x3FFC];
	_ =	sdelay $0x3  }
0x94: {  	_ =	strace s2  }
0x95: {  	s2 =	sld [smem:$0x3FFD];
	_ =	sdelay $0x3  }
0x96: {  	_ =	strace s2  }
0x97: {  	_ =	strace $0x8FFFFFFF  }
0x98: {  	s18 =	sld [smem:$0x3FDB];
	_ =	sdelay $0x1  }
0x99: {  	s19 =	simm.s32 $_scs_section_size  }
0x9a: {  	s4 =	simm.s32 $_size__tile_overlayer_lowered;
	s5 =	simm.s32 $_tile_overlayer_lowered  }
0x9b: {  	s22 =	simm.s32 $0x1BFF;
	s21 =	sshll.u32 s5, $0x1;
	s2 =	sadd.s32 s19, s18  }
0x9c: {  	s6 =	simm.s32 $0x0;
	s20 =	sshll.u32 s4, $0x1;
	s4 =	sadd.s32 s21, s2  }
0x9d: {  	[timem:s6], [sflag:s22] =	dma.local [hbm:s4], s20  }
0x9e: {  	_ =	swait.ge [sflag:s22], s20  }
0x9f: {  	s3 =	ssub.s32 $0x0, s20;
	[sflag:s22] =	ssyncset.done $0x0  }
0xa0: {  	[sflag:s22] =	ssyncadd.s32 s3;
	_ =	sdelay $0x1  }
0xa1: {  	s23 =	simm.s32 $0x1B8B  }
0xa2: {  	_ =	swait.ge [sflag:s23], $0x1  }
0xa3: {  	[sflag:s23] =	ssyncset.done $0x0  }
0xa4: {  	s25 =	simm.s32 $0x1B8E;
	s24 =	sld [smem:$0x3FFE];
	[sflag:s23] =	ssyncadd.s32 $0xFFFFFFFF  }
0xa5: {  	s26 =	simm.s32 $execute0_lowered;
	[smem:$0x3FD2] =	sst s25  }
0xa6: {  	s4 =	sshll.u32 s26, $0x1;
	_ =	strace $0x8000004F;
	[dreg:$0x1] =	wrdreg $0xFFFFFFFF  }
0xa7: {  	s28 =	simm.s32 $_size_execute0_lowered;
	s2 =	sadd.s32 s2, s4;
	[dreg:$0x0] =	wrdreg $0x0  }
0xa8: {  	s4 =	sshll.u32 s28, $0x1;
	[dreg:$0x2] =	wrdreg s2  }
0xa9: {  	[dreg:$0x3] =	wrdreg s4  }
0xaa: {  	[dreg:$0x4] =	wrdreg $0xC0  }
0xab: {  	_ =	task [dreg:s6], $0x5FFFF  }
0xac: {  	[dreg:$0x1] =	wrdreg $0xFFFFFFFF  }
0xad: {  	[dreg:$0x0] =	wrdreg $0x60  }
0xae: {  	[dreg:$0x2] =	wrdreg s24  }
0xaf: {  	[dreg:$0x3] =	wrdreg $0x90000  }
0xb0: {  	[dreg:$0x4] =	wrdreg $0x9  }
0xb1: {  	_ =	task.clear_ibuf [dreg:s6], $0x5FFFF;
	_ =	strace $0x9000004F  }
0xb2: {  	s29 =	simm.s32 $0x9;
	_ =	strace $0x80000051  }
0xb3: {  	_ =	swait.ge [sflag:s29], $0x1  }
0xb4: {  	[sflag:s29] =	ssyncadd.s32 $0xFFFFFFFF  }
0xb5: {  	_ =	strace $0x90000051  }
0xb6: {  	_ =	sfence  }
0xb7: {  	s30 =	sld [smem:$0x0];
	_ =	sdelay $0x2  }
0xb8: {  	s31 =	sshll.u32 s1, $0xD;
	s1 =	sshrl.u32 s1, $0x2  }
0xb9: {  	s3 =	sand.u32 $0x4000, s31;
	s1 =	sadd.s32 s1, s30  }
0xba: {  	s0 =	sor.u32 s3, s0;
	s1 =	sshll.u32 s1, $0x11  }
0xbb: {  	s0 =	sor.u32 s1, s0  }
0xbc: {  	s0 =	sadd.s32 $0x8F2B, s0  }
0xbd: {  	[sflag:s0] =	ssyncadd.remote.s32 $0x1  }
0xbe: {  	_ =	sfence.sel $0xFFFF  }
0xbf: {  	[dreg:$0x0] =	wrdreg $0xFFFFFFFF;
	(pc) =	sbr.abs _section_cstart, $3  }
0xc0: {  	[dreg:$0x1] =	wrdreg $0xFFFFFFFF  }
0xc1: {  	_ =	task.clear_ibuf [dreg:s6], $0x2FFFF;
	_ =	strace $0x9FFFFFFF  }
0xc2: {  	(tm) =	ssettm $0x7FFFFFFF  }
0xc3: {  	_ =	shalt  }
tec
execute0_lowered:
.L_overlay_start_1:
0x0: {  	(tag) =	ssettag $0x1  }
0x1: {  	s1 =	srdreg.scid  }
0x2: {  	s0 =	stileid.u32;
	s6 =	rddreg [dreg:$0x0]  }
0x3: {  	s2 =	rddreg [dreg:$0x1];
	s3 =	simm.s32 $0x0;
	s14 =	simm.s32 $0x7000  }
0x4: {  	s15 =	simm.s32 $0x1;
	s16 =	simm.s32 $0x2;
	s17 =	simm.s32 $0x4E40  }
0x5: {  	s18 =	simm.s32 $0x0;
	s5 =	sand.u32 $0x1, s1;
	s28 =	sshll.u32 s0, $0x1  }
0x6: {  	s8 =	smul.u32 $0x14000, s0;
	[smem:$0x7FF] =	sst s3;
	s4 =	sadd.s32 $0x40600, s6  }
0x7: {  	s29 =	smul.u32 $0x50000, s0;
	s12 =	sshll.u32 s0, $0x6;
	s1 =	sor.u32 s5, s28  }
0x8: {  	s9 =	smul.u32 $0x140000, s5;
	s5 =	ssub.s32 $0x2, s5;
	s12 =	sor.u32 $0x1C03, s12  }
0x9: {  	s7 =	smul.u32 $0xA00, s1;
	s1 =	rddreg [dreg:$0x2];
	_ =	strace $0x80000050  }
0xa: {  	s10 =	sshrl.u32 s8, $0x3;
	s30 =	sshrl.u32 s5, $0x1;
	s31 =	sshrl.u32 s29, $0x2  }
0xb: {  	s8 =	sadd.s32 s8, s9;
	s10 =	sadd.s32 s10, s6;
	s11 =	ssub.s32 s5, s30  }
0xc: {  	s13 =	sadd.s32 s31, s2;
	s9 =	simm.s32 $0x3;
	s8 =	sshrl.u32 s8, $0x3  }
0xd: {  	s7 =	sadd.s32 s7, s6;
	s13 =	sshrl.u32 s13, $0x3;
	s8 =	sadd.s32 s8, s6  }
0xe: {  	s5 =	sadd.s32 $0x4600, s7;
	s6 =	sadd.s32 $0x18600, s10;
	s10 =	simm.s32 $0x40  }
0xf: {  	s7 =	sadd.s32 $0x67800, s8;
	s8 =	smax.u32 s11, $0x1;
	s11 =	simm.s32 $0x5000  }
.LBB2_1:
0x10: {  	[tilespmem:s3], [sflag:$0x3] =	stream.linear.gather [hbm4b:s5+s3], $0x4E80, $0x38;
	[tilespmem:$0x1D000] =	vst v63  }
0x11: {  	_ =	swait.ge [sflag:s9], $0x4E80  }
0x12: {  	[sflag:s9] =	ssyncset.done $0x0  }
0x13: {  	[sflag:s9] =	ssyncadd.s32 $0xFFFFB180  }
0x14: {  	[tilespmem:s11], [sflag:$0x1] =	stream.indirect.gather [hbm4b:s4+s10], $0x80, s3, s10, $0xb8;
	[tilespmem:$0x1D000] =	vst v63  }
0x15: {  	[spmem:s13], [sflag:s12] =	dma.local [hbm:s6], $0x2800  }
0x16: {  	_ =	swait.ge [sflag:s9], $0x2800  }
0x17: {  	[sflag:s9] =	ssyncset.done $0x0  }
0x18: {  	[sflag:s9] =	ssyncadd.s32 $0xFFFFD800  }
0x19: {  	s19 =	simm.s32 $0x80;
	[bflag:$0x0] =	sbarrier.arrive $0xFFFF  }
0x1a: {  	[tilespmem:s14], [sflag:$0x2] =	stream.indirect.gather [hbm4b:s4+s10], $0x80, s19, s10, $0xb8;
	[tilespmem:$0x1D000] =	vst v63  }
0x1b: {  	_ =	swait.ge [sflag:s15], $0x2000  }
0x1c: {  	[sflag:s15] =	ssyncset.done $0x0  }
0x1d: {  	s29 =	simm.s32 $0x40;
	[sflag:s15] =	ssyncadd.s32 $0xFFFFE000  }
0x1e: {  	[spmem:s2] =	stream.indirect.scatter.add.f32 [tilespmem:s11], [sflag:$0x3], $0x80, s29, s10, $0xb8;
	[tilespmem:$0x1D000] =	vst v63  }
0x1f: {  	_ =	swait.ge [sflag:s9], $0x2000  }
0x20: {  	[sflag:s9] =	ssyncset.done $0x0  }
0x21: {  	s30 =	simm.s32 $0x100;
	[sflag:s9] =	ssyncadd.s32 $0xFFFFE000  }
0x22: {  	[tilespmem:s11], [sflag:$0x1] =	stream.indirect.gather [hbm4b:s4+s10], $0x80, s30, s10, $0xb8;
	[tilespmem:$0x1D000] =	vst v63  }
0x23: {  	_ =	swait.ge [sflag:s16], $0x2000  }
0x24: {  	[sflag:s16] =	ssyncset.done $0x0  }
0x25: {  	s31 =	simm.s32 $0xC0;
	[sflag:s16] =	ssyncadd.s32 $0xFFFFE000  }
0x26: {  	[spmem:s2] =	stream.indirect.scatter.add.f32 [tilespmem:s14], [sflag:$0x3], $0x80, s31, s10, $0xb8;
	[tilespmem:$0x1D000] =	vst v63  }
0x27: {  	_ =	swait.ge [sflag:s9], $0x2000  }
0x28: {  	s20 =	simm.s32 $0xFFFED000;
	s19 =	simm.s32 $0xFFFFB300;
	[sflag:s9] =	ssyncset.done $0x0  }
.LBB2_2:
0x29: {  	s21 =	sadd.s32 $0x4E80, s19  }
0x2a: {  	[sflag:s9] =	ssyncadd.s32 $0xFFFFE000;
	s22 =	smov.u32 s20;
	s23 =	sadd.s32 $0x400, s20  }
0x2b: {  	[tilespmem:s14], [sflag:$0x2] =	stream.indirect.gather [hbm4b:s4+s10], $0x80, s21, s10, $0xb8;
	[tilespmem:$0x1D000] =	vst v63  }
0x2c: {  	p0 =	sne.s32 s20, $0xFFFFFC00;
	_ =	swait.ge [sflag:s15], $0x2000  }
0x2d: {  	[sflag:s15] =	ssyncset.done $0x0  }
0x2e: {  	s20 =	sadd.s32 $0x4E40, s19;
	[sflag:s15] =	ssyncadd.s32 $0xFFFFE000  }
0x2f: {  	[spmem:s2] =	stream.indirect.scatter.add.f32 [tilespmem:s11], [sflag:$0x3], $0x80, s20, s10, $0xb8;
	[tilespmem:$0x1D000] =	vst v63  }
0x30: {  	_ =	swait.ge [sflag:s9], $0x2000  }
0x31: {  	[sflag:s9] =	ssyncset.done $0x0  }
0x32: {  	s20 =	sadd.s32 $0x4F00, s19;
	[sflag:s9] =	ssyncadd.s32 $0xFFFFE000  }
0x33: {  	[tilespmem:s11], [sflag:$0x1] =	stream.indirect.gather [hbm4b:s4+s10], $0x80, s20, s10, $0xb8;
	[tilespmem:$0x1D000] =	vst v63  }
0x34: {  	_ =	swait.ge [sflag:s16], $0x2000  }
.Ltmp0:
0x35: {  	[sflag:s16] =	ssyncset.done $0x0;
	(pc) =	sbr.rel @p0 .LBB2_2-.Ltmp0, $4  }
0x36: {  	s19 =	sadd.s32 $0x4EC0, s19;
	[sflag:s16] =	ssyncadd.s32 $0xFFFFE000  }
0x37: {  	[spmem:s2] =	stream.indirect.scatter.add.f32 [tilespmem:s14], [sflag:$0x3], $0x80, s19, s10, $0xb8;
	[tilespmem:$0x1D000] =	vst v63  }
0x38: {  	_ =	swait.ge [sflag:s9], $0x2000  }
0x39: {  	s20 =	smov.u32 s23;
	s19 =	sshra.s32 s22, $0x2;
	[sflag:s9] =	ssyncset.done $0x0  }
0x3a: {  	s20 =	sadd.s32 $0x4E80, s19;
	[sflag:s9] =	ssyncadd.s32 $0xFFFFE000  }
0x3b: {  	[tilespmem:s14], [sflag:$0x2] =	stream.indirect.gather [hbm4b:s4+s10], $0x80, s20, s10, $0xb8;
	[tilespmem:$0x1D000] =	vst v63  }
0x3c: {  	_ =	swait.ge [sflag:s15], $0x2000  }
0x3d: {  	[sflag:s15] =	ssyncset.done $0x0  }
0x3e: {  	s29 =	sadd.s32 $0x4E40, s19;
	[sflag:s15] =	ssyncadd.s32 $0xFFFFE000  }
0x3f: {  	[spmem:s2] =	stream.indirect.scatter.add.f32 [tilespmem:s11], [sflag:$0x3], $0x80, s29, s10, $0xb8;
	[tilespmem:$0x1D000] =	vst v63  }
0x40: {  	_ =	swait.ge [sflag:s9], $0x2000  }
0x41: {  	[sflag:s9] =	ssyncset.done $0x0  }
0x42: {  	s30 =	sadd.s32 $0x4F00, s19;
	[sflag:s9] =	ssyncadd.s32 $0xFFFFE000  }
0x43: {  	[tilespmem:s11], [sflag:$0x1] =	stream.indirect.gather [hbm4b:s4+s10], $0x80, s30, s10, $0xb8;
	[tilespmem:$0x1D000] =	vst v63  }
0x44: {  	_ =	swait.ge [sflag:s16], $0x2000  }
0x45: {  	[sflag:s16] =	ssyncset.done $0x0  }
0x46: {  	s31 =	sadd.s32 $0x4EC0, s19;
	[sflag:s16] =	ssyncadd.s32 $0xFFFFE000  }
0x47: {  	[spmem:s2] =	stream.indirect.scatter.add.f32 [tilespmem:s14], [sflag:$0x3], $0x80, s31, s10, $0xb8;
	[tilespmem:$0x1D000] =	vst v63  }
0x48: {  	_ =	swait.ge [sflag:s9], $0x2000  }
0x49: {  	[sflag:s9] =	ssyncset.done $0x0  }
0x4a: {  	[sflag:s9] =	ssyncadd.s32 $0xFFFFE000  }
0x4b: {  	_ =	swait.ge [sflag:s15], $0x2000  }
0x4c: {  	[sflag:s15] =	ssyncset.done $0x0  }
0x4d: {  	[sflag:s15] =	ssyncadd.s32 $0xFFFFE000  }
0x4e: {  	[spmem:s2] =	stream.indirect.scatter.add.f32 [tilespmem:s11], [sflag:$0x3], $0x80, s17, s10, $0xb8;
	[tilespmem:$0x1D000] =	vst v63  }
0x4f: {  	_ =	swait.ge [sflag:s9], $0x2000  }
0x50: {  	s18 =	sadd.s32 $0x1, s18;
	[sflag:s9] =	ssyncset.done $0x0  }
0x51: {  	p0 =	sne.s32 s18, s8;
	[sflag:s9] =	ssyncadd.s32 $0xFFFFE000  }
.Ltmp1:
0x52: {  	[bflag:$0x0] =	sbarrier.arrive $0xFFFF;
	(pc) =	sbr.rel @p0 .LBB2_1-.Ltmp1, $4  }
0x53: {  	[hbm:s7], [sflag:s12] =	dma.local [spmem:s13], $0x2800  }
0x54: {  	_ =	swait.ge [sflag:s9], $0x2800  }
0x55: {  	[sflag:s9] =	ssyncset.done $0x0  }
0x56: {  	[sflag:s9] =	ssyncadd.s32 $0xFFFFD800  }
0x57: {  	_ =	sfence.sel $0x180000  }
0x58: {  	[bflag:$0x0] =	sbarrier.arrive $0xFFFF  }
0x59: {  	p0 =	sne.s32 s0, $0x0;
	_ =	strace $0x90000050  }
0x5a: {  	s0 =	sadd.s32 @!p0 $0x100000, s1;
	[bflag:$0x2] =	sbarrier.arrive $0xFFFF  }
0x5b: {  	[sflag:s0] =	ssyncadd.tile.s32 @!p0 $0x1;
	_ =	shalt  }
.Lfunc_end2:
_tile_overlayer_lowered:
.L_overlay_start_2:
0x5c: {  	(tag) =	ssettag $0x2  }
0x5d: {  	s0 =	rddreg [dreg:$0x0];
	s2 =	stileid.u32  }
0x5e: {  	s1 =	rddreg [dreg:$0x1];
	p0 =	sne.s32 s2, $0x0  }
0x5f: {  	s3 =	rddreg [dreg:$0x2];
	[bflag:$0x3] =	sbarrier.arrive $0xFFFF;
	s2 =	simm.s32 @!p0 $0x1C03  }
0x60: {  	[timem:s3], [sflag:s2] =	dma.local @!p0 [hbm:s0], s1  }
0x61: {  	s0 =	simm.s32 @!p0 $0x3  }
0x62: {  	_ =	swait.ge @!p0 [sflag:s0], s1  }
0x63: {  	s1 =	ssub.s32 @!p0 $0x0, s1;
	[sflag:s0] =	ssyncset.done @!p0 $0x0  }
0x64: {  	[sflag:s0] =	ssyncadd.s32 @!p0 s1  }
0x65: {  	[bflag:$0x3] =	sbarrier.arrive $0xFFFF  }
0x66: {  	_ =	shalt  }

</sc_bundles>
